<compile_context>
chip_gen: v7x
topology: tpu7x:2x2x1
jax: 0.10.2.dev20260603
libtpu: 0.0.44.dev20260713+nightly
codegen_flags: <defaults>
</compile_context>

<pallas_src>
import jax
import jax.numpy as jnp
from jax import lax
from jax.experimental import pallas as pl
from jax.experimental.pallas import tpu as pltpu
from jax.experimental.pallas import tpu_sc as plsc

_B, _S, _P = 16, 4096, 8192
_NC, _NS, _L = 2, 16, 16
_NW = _NC * _NS
_PPW = _B * _P // _NW
_SB = _S // 128
_PB = _PPW // 128
_UNROLL = 8
_GROUPS = _PPW // _L
_ITERS = _GROUPS // _UNROLL
_SCALE = 1.0 / (_B * _S)


def _dtw_body(preds_hbm, targets_hbm, paths_hbm, out_hbm,
              preds_v, targs_v, path_v, acc_v, sem_p, sem_t, sem_i):
    sid = lax.axis_index("s")
    b = sid
    half = lax.axis_index("c")
    wid = sid * _NC + half

    cp_p = pltpu.make_async_copy(preds_hbm.at[b], preds_v, sem_p)
    cp_t = pltpu.make_async_copy(targets_hbm.at[b], targs_v, sem_t)
    cp_i = pltpu.make_async_copy(
        paths_hbm.at[b, pl.ds(half * 2 * _PB, 2 * _PB)], path_v, sem_i)
    cp_p.start()
    cp_t.start()
    cp_i.start()
    cp_p.wait()
    cp_t.wait()
    cp_i.wait()

    def step(k, acc):
        gbase = k * _UNROLL
        for u in range(_UNROLL):
            g = gbase + u
            blk = g // 8
            w = (g % 8) * _L
            iv = path_v[2 * blk, pl.ds(w, _L)]
            jv = path_v[2 * blk + 1, pl.ds(w, _L)]
            ri = (iv >> 7) << 1
            ci = iv & 127
            rj = (jv >> 7) << 1
            cj = jv & 127
            px = plsc.load_gather(preds_v, [ri, ci])
            py = plsc.load_gather(preds_v, [ri + 1, ci])
            tx = plsc.load_gather(targs_v, [rj, cj])
            ty = plsc.load_gather(targs_v, [rj + 1, cj])
            acc = acc + (jnp.abs(px - tx) + jnp.abs(py - ty))
        return acc

    acc = lax.fori_loop(0, _ITERS, step, jnp.zeros((_L,), jnp.float32))
    acc_v[...] = acc * _SCALE
    pltpu.sync_copy(acc_v, out_hbm.at[wid])


def kernel(preds, targets, paths):
    pv = preds.reshape(_B, _SB, 128, 2).transpose(0, 1, 3, 2)
    pv = pv.reshape(_B, 2 * _SB, 128)
    tv = targets.reshape(_B, _SB, 128, 2).transpose(0, 1, 3, 2)
    tv = tv.reshape(_B, 2 * _SB, 128)
    av = paths.reshape(_B, _P // 128, 128, 2).transpose(0, 1, 3, 2)
    av = av.reshape(_B, 2 * (_P // 128), 128)
    partials = pl.kernel(
        _dtw_body,
        out_type=jax.ShapeDtypeStruct((_NW, _L), jnp.float32),
        mesh=plsc.VectorSubcoreMesh(core_axis_name="c", subcore_axis_name="s"),
        compiler_params=pltpu.CompilerParams(
            needs_layout_passes=False,
            disable_bounds_checks=True,
            disable_semaphore_checks=True,
        ),
        scratch_types=[
            pltpu.VMEM((2 * _SB, 128), jnp.float32),
            pltpu.VMEM((2 * _SB, 128), jnp.float32),
            pltpu.VMEM((2 * _PB, 128), jnp.int32),
            pltpu.VMEM((_L,), jnp.float32),
            pltpu.SemaphoreType.DMA,
            pltpu.SemaphoreType.DMA,
            pltpu.SemaphoreType.DMA,
        ],
    )(pv, tv, av)
    return jnp.sum(partials)

# --- scband reference (transcript-rebuilt; emitter-appended) ---
"""Pipeline reference for scband-dtw-loss-40845138985586 (READ-ONLY COPY).

The authoritative reference and input builder live on the scoring server;
editing this copy changes nothing except your own understanding.
"""

import jax, jax.numpy as jnp
import numpy as np


def setup_inputs(seed: int = 0) -> dict:
    key = jax.random.key(seed)
    k1, k2, k3 = jax.random.split(key, 3)
    B, S, P = 16, 4096, 8192
    preds = jax.random.normal(k1, (B, S, 2), dtype=jnp.float32)
    targets = jax.random.normal(k2, (B, S, 2), dtype=jnp.float32)
    paths = jax.random.randint(k3, (B, P, 2), 0, S, dtype=jnp.int32)
    return {"preds": preds, "targets": targets, "paths": paths}


def reference(preds, targets, paths):
    # DTW loss: for each batch b and each path pair (i, j),
    # accumulate ||pred[b, i] - target[b, j]||_1, then normalize by B * S.
    # paths: int32 [B, P, 2] -- dense tensorized form of the original list of warping paths.
    B, S, _ = preds.shape
    i_idx = paths[..., 0]  # [B, P] indices into preds along seq dim
    j_idx = paths[..., 1]  # [B, P] indices into targets along seq dim
    pred_g = jnp.take_along_axis(preds, i_idx[..., None], axis=1)    # [B, P, 2]
    targ_g = jnp.take_along_axis(targets, j_idx[..., None], axis=1)  # [B, P, 2]
    # torch.norm(v, p=1) over the last (size-2) dim == sum of abs; total loss sums over all pairs
    loss = jnp.sum(jnp.abs(pred_g - targ_g))
    return loss / (B * S)

if __name__ == "__main__":
    import jax
    _d = setup_inputs()
    print(jax.jit(kernel)(*tuple(_d.values())))

</pallas_src>

<mosaic_0001>
#map = affine_map<(d0, d1) -> (0, 0, 0)>
#map1 = affine_map<(d0, d1) -> (0, 0)>
module attributes {stable_mosaic.version = 14 : i64} {
  func.func @_dtw_body(%arg0: i32, %arg1: i32, %arg2: memref<16x64x128xf32, #tpu.memory_space<hbm>>, %arg3: memref<16x64x128xf32, #tpu.memory_space<hbm>>, %arg4: memref<16x128x128xi32, #tpu.memory_space<hbm>>, %arg5: memref<32x16xf32, #tpu.memory_space<hbm>>, %arg6: memref<64x128xf32, #tpu.memory_space<vmem>>, %arg7: memref<64x128xf32, #tpu.memory_space<vmem>>, %arg8: memref<64x128xi32, #tpu.memory_space<vmem>>, %arg9: memref<16xf32, #tpu.memory_space<vmem>>, %arg10: memref<!tpu.dma_semaphore, #tpu.memory_space<semaphore_mem>>, %arg11: memref<!tpu.dma_semaphore, #tpu.memory_space<semaphore_mem>>, %arg12: memref<!tpu.dma_semaphore, #tpu.memory_space<semaphore_mem>>) attributes {dimension_semantics = [#tpu.dimension_semantics<core_parallel>, #tpu.dimension_semantics<subcore_parallel>], iteration_bounds = array<i64: 2, 16>, scalar_prefetch = 0 : i64, scratch_operands = 7 : i64, tpu.core_type = #tpu.core_type<sc_vector_subcore>, window_params = [{transform_indices = #map}, {transform_indices = #map}, {transform_indices = #map}, {transform_indices = #map1}]} {
    %mul3A = arith.constant 2 : i32
    %mul3A_0 = arith.muli %arg1, %mul3A : i32
    %add3A = arith.addi %mul3A_0, %arg0 : i32
    %mul3A_1 = arith.constant 2 : i32
    %mul3A_2 = arith.muli %arg0, %mul3A_1 : i32
    %mul3A_3 = arith.constant 32 : i32
    %mul3A_4 = arith.muli %mul3A_2, %mul3A_3 : i32
    %dma_start3A = arith.constant 0 : i32
    %dma_start3A_5 = arith.constant 0 : i32
    %dma_start3A_6 = tpu.memref_slice %arg2[%arg1, %dma_start3A, %dma_start3A_5] : memref<16x64x128xf32, #tpu.memory_space<hbm>> -> memref<1x64x128xf32, #tpu.memory_space<hbm>>
    %dma_start3A_7 = tpu.memref_squeeze %dma_start3A_6 : memref<1x64x128xf32, #tpu.memory_space<hbm>> -> memref<64x128xf32, #tpu.memory_space<hbm>>
    %dma_start3A_8 = arith.constant 0 : i32
    %dma_start3A_9 = arith.constant 0 : i32
    %dma_start3A_10 = tpu.memref_slice %arg2[%arg1, %dma_start3A_8, %dma_start3A_9] : memref<16x64x128xf32, #tpu.memory_space<hbm>> -> memref<1x64x128xf32, #tpu.memory_space<hbm>>
    %dma_start3A_11 = tpu.memref_squeeze %dma_start3A_10 : memref<1x64x128xf32, #tpu.memory_space<hbm>> -> memref<64x128xf32, #tpu.memory_space<hbm>>
    tpu.enqueue_dma source(%dma_start3A_11 : memref<64x128xf32, #tpu.memory_space<hbm>>) target(%arg6 : memref<64x128xf32, #tpu.memory_space<vmem>>) target_semaphore(%arg10 : memref<!tpu.dma_semaphore, #tpu.memory_space<semaphore_mem>>)
    %dma_start3A_12 = arith.constant 0 : i32
    %dma_start3A_13 = arith.constant 0 : i32
    %dma_start3A_14 = tpu.memref_slice %arg3[%arg1, %dma_start3A_12, %dma_start3A_13] : memref<16x64x128xf32, #tpu.memory_space<hbm>> -> memref<1x64x128xf32, #tpu.memory_space<hbm>>
    %dma_start3A_15 = tpu.memref_squeeze %dma_start3A_14 : memref<1x64x128xf32, #tpu.memory_space<hbm>> -> memref<64x128xf32, #tpu.memory_space<hbm>>
    %dma_start3A_16 = arith.constant 0 : i32
    %dma_start3A_17 = arith.constant 0 : i32
    %dma_start3A_18 = tpu.memref_slice %arg3[%arg1, %dma_start3A_16, %dma_start3A_17] : memref<16x64x128xf32, #tpu.memory_space<hbm>> -> memref<1x64x128xf32, #tpu.memory_space<hbm>>
    %dma_start3A_19 = tpu.memref_squeeze %dma_start3A_18 : memref<1x64x128xf32, #tpu.memory_space<hbm>> -> memref<64x128xf32, #tpu.memory_space<hbm>>
    tpu.enqueue_dma source(%dma_start3A_19 : memref<64x128xf32, #tpu.memory_space<hbm>>) target(%arg7 : memref<64x128xf32, #tpu.memory_space<vmem>>) target_semaphore(%arg11 : memref<!tpu.dma_semaphore, #tpu.memory_space<semaphore_mem>>)
    %dma_start3A_20 = arith.constant 0 : i32
    %dma_start3A_21 = tpu.memref_slice %arg4[%arg1, %mul3A_4, %dma_start3A_20] : memref<16x128x128xi32, #tpu.memory_space<hbm>> -> memref<1x64x128xi32, #tpu.memory_space<hbm>>
    %dma_start3A_22 = tpu.memref_squeeze %dma_start3A_21 : memref<1x64x128xi32, #tpu.memory_space<hbm>> -> memref<64x128xi32, #tpu.memory_space<hbm>>
    %dma_start3A_23 = arith.constant 0 : i32
    %dma_start3A_24 = tpu.memref_slice %arg4[%arg1, %mul3A_4, %dma_start3A_23] : memref<16x128x128xi32, #tpu.memory_space<hbm>> -> memref<1x64x128xi32, #tpu.memory_space<hbm>>
    %dma_start3A_25 = tpu.memref_squeeze %dma_start3A_24 : memref<1x64x128xi32, #tpu.memory_space<hbm>> -> memref<64x128xi32, #tpu.memory_space<hbm>>
    tpu.enqueue_dma source(%dma_start3A_25 : memref<64x128xi32, #tpu.memory_space<hbm>>) target(%arg8 : memref<64x128xi32, #tpu.memory_space<vmem>>) target_semaphore(%arg12 : memref<!tpu.dma_semaphore, #tpu.memory_space<semaphore_mem>>)
    %dma_wait3A = arith.constant 0 : i32
    %dma_wait3A_26 = arith.constant 0 : i32
    %dma_wait3A_27 = tpu.memref_slice %arg2[%arg1, %dma_wait3A, %dma_wait3A_26] : memref<16x64x128xf32, #tpu.memory_space<hbm>> -> memref<1x64x128xf32, #tpu.memory_space<hbm>>
    %dma_wait3A_28 = tpu.memref_squeeze %dma_wait3A_27 : memref<1x64x128xf32, #tpu.memory_space<hbm>> -> memref<64x128xf32, #tpu.memory_space<hbm>>
    %dma_wait3A_29 = arith.constant 0 : i32
    %dma_wait3A_30 = arith.constant 0 : i32
    %dma_wait3A_31 = tpu.memref_slice %arg2[%arg1, %dma_wait3A_29, %dma_wait3A_30] : memref<16x64x128xf32, #tpu.memory_space<hbm>> -> memref<1x64x128xf32, #tpu.memory_space<hbm>>
    %dma_wait3A_32 = tpu.memref_squeeze %dma_wait3A_31 : memref<1x64x128xf32, #tpu.memory_space<hbm>> -> memref<64x128xf32, #tpu.memory_space<hbm>>
    tpu.wait_dma2 semaphore(%arg10 : memref<!tpu.dma_semaphore, #tpu.memory_space<semaphore_mem>>) src(%dma_wait3A_32 : memref<64x128xf32, #tpu.memory_space<hbm>>) dst(%arg6 : memref<64x128xf32, #tpu.memory_space<vmem>>)
    %dma_wait3A_33 = arith.constant 0 : i32
    %dma_wait3A_34 = arith.constant 0 : i32
    %dma_wait3A_35 = tpu.memref_slice %arg3[%arg1, %dma_wait3A_33, %dma_wait3A_34] : memref<16x64x128xf32, #tpu.memory_space<hbm>> -> memref<1x64x128xf32, #tpu.memory_space<hbm>>
    %dma_wait3A_36 = tpu.memref_squeeze %dma_wait3A_35 : memref<1x64x128xf32, #tpu.memory_space<hbm>> -> memref<64x128xf32, #tpu.memory_space<hbm>>
    %dma_wait3A_37 = arith.constant 0 : i32
    %dma_wait3A_38 = arith.constant 0 : i32
    %dma_wait3A_39 = tpu.memref_slice %arg3[%arg1, %dma_wait3A_37, %dma_wait3A_38] : memref<16x64x128xf32, #tpu.memory_space<hbm>> -> memref<1x64x128xf32, #tpu.memory_space<hbm>>
    %dma_wait3A_40 = tpu.memref_squeeze %dma_wait3A_39 : memref<1x64x128xf32, #tpu.memory_space<hbm>> -> memref<64x128xf32, #tpu.memory_space<hbm>>
    tpu.wait_dma2 semaphore(%arg11 : memref<!tpu.dma_semaphore, #tpu.memory_space<semaphore_mem>>) src(%dma_wait3A_40 : memref<64x128xf32, #tpu.memory_space<hbm>>) dst(%arg7 : memref<64x128xf32, #tpu.memory_space<vmem>>)
    %dma_wait3A_41 = arith.constant 0 : i32
    %dma_wait3A_42 = tpu.memref_slice %arg4[%arg1, %mul3A_4, %dma_wait3A_41] : memref<16x128x128xi32, #tpu.memory_space<hbm>> -> memref<1x64x128xi32, #tpu.memory_space<hbm>>
    %dma_wait3A_43 = tpu.memref_squeeze %dma_wait3A_42 : memref<1x64x128xi32, #tpu.memory_space<hbm>> -> memref<64x128xi32, #tpu.memory_space<hbm>>
    %dma_wait3A_44 = arith.constant 0 : i32
    %dma_wait3A_45 = tpu.memref_slice %arg4[%arg1, %mul3A_4, %dma_wait3A_44] : memref<16x128x128xi32, #tpu.memory_space<hbm>> -> memref<1x64x128xi32, #tpu.memory_space<hbm>>
    %dma_wait3A_46 = tpu.memref_squeeze %dma_wait3A_45 : memref<1x64x128xi32, #tpu.memory_space<hbm>> -> memref<64x128xi32, #tpu.memory_space<hbm>>
    tpu.wait_dma2 semaphore(%arg12 : memref<!tpu.dma_semaphore, #tpu.memory_space<semaphore_mem>>) src(%dma_wait3A_46 : memref<64x128xi32, #tpu.memory_space<hbm>>) dst(%arg8 : memref<64x128xi32, #tpu.memory_space<vmem>>)
    %broadcast_in_dim3A = arith.constant 0.000000e+00 : f32
    %broadcast_in_dim3A_47 = vector.broadcast %broadcast_in_dim3A : f32 to vector<16xf32>
    %scan3A = arith.constant 0 : i32
    %scan3A_48 = arith.constant 32 : i32
    %scan3A_49 = arith.addi %scan3A, %scan3A_48 : i32
    %scan3A_50 = arith.constant 1 : i32
    %scan3A_51 = scf.for %scan3A_57 = %scan3A to %scan3A_49 step %scan3A_50 iter_args(%scan3A_58 = %broadcast_in_dim3A_47) -> (vector<16xf32>)  : i32 {
      %mul3A_59 = arith.constant 8 : i32
      %mul3A_60 = arith.muli %scan3A_57, %mul3A_59 : i32
      %add3A_61 = arith.constant 0 : i32
      %add3A_62 = arith.addi %mul3A_60, %add3A_61 : i32
      %jit3A = arith.constant 8 : i32
      %div3A = arith.divsi %add3A_62, %jit3A : i32
      %sign3A = arith.constant 0 : i32
      %sign3A_63 = arith.cmpi sgt, %add3A_62, %sign3A : i32
      %sign3A_64 = arith.extui %sign3A_63 : i1 to i32
      %sign3A_65 = arith.constant 0 : i32
      %sign3A_66 = arith.cmpi slt, %add3A_62, %sign3A_65 : i32
      %sign3A_67 = arith.extui %sign3A_66 : i1 to i32
      %sign3A_68 = arith.subi %sign3A_64, %sign3A_67 : i32
      %sign3A_69 = arith.constant 0 : i32
      %sign3A_70 = arith.cmpi sgt, %jit3A, %sign3A_69 : i32
      %sign3A_71 = arith.extui %sign3A_70 : i1 to i32
      %sign3A_72 = arith.constant 0 : i32
      %sign3A_73 = arith.cmpi slt, %jit3A, %sign3A_72 : i32
      %sign3A_74 = arith.extui %sign3A_73 : i1 to i32
      %sign3A_75 = arith.subi %sign3A_71, %sign3A_74 : i32
      %ne3A = arith.cmpi ne, %sign3A_68, %sign3A_75 : i32
      %rem3A = arith.remsi %add3A_62, %jit3A : i32
      %ne3A_76 = arith.constant 0 : i32
      %ne3A_77 = arith.cmpi ne, %rem3A, %ne3A_76 : i32
      %and3A = arith.andi %ne3A, %ne3A_77 : i1
      %sub3A = arith.constant 1 : i32
      %sub3A_78 = arith.subi %div3A, %sub3A : i32
      %select_n3A = arith.select %and3A, %sub3A_78, %div3A : i32
      %jit3A_79 = arith.constant 8 : i32
      %eq3A = arith.constant 0 : i32
      %eq3A_80 = arith.cmpi eq, %jit3A_79, %eq3A : i32
      %jit3A_81 = arith.constant 1 : i32
      %select_n3A_82 = arith.select %eq3A_80, %jit3A_81, %jit3A_79 : i32
      %rem3A_83 = arith.remsi %add3A_62, %select_n3A_82 : i32
      %ne3A_84 = arith.constant 0 : i32
      %ne3A_85 = arith.cmpi ne, %rem3A_83, %ne3A_84 : i32
      %lt3A = arith.constant 0 : i32
      %lt3A_86 = arith.cmpi slt, %rem3A_83, %lt3A : i32
      %lt3A_87 = arith.constant 0 : i32
      %lt3A_88 = arith.cmpi slt, %select_n3A_82, %lt3A_87 : i32
      %ne3A_89 = arith.xori %lt3A_86, %lt3A_88 : i1
      %and3A_90 = arith.andi %ne3A_89, %ne3A_85 : i1
      %add3A_91 = arith.addi %rem3A_83, %select_n3A_82 : i32
      %select_n3A_92 = arith.select %and3A_90, %add3A_91, %rem3A_83 : i32
      %mul3A_93 = arith.constant 16 : i32
      %mul3A_94 = arith.muli %select_n3A_92, %mul3A_93 : i32
      %mul3A_95 = arith.constant 2 : i32
      %mul3A_96 = arith.muli %mul3A_95, %select_n3A : i32
      %get3A = arith.index_cast %mul3A_96 : i32 to index
      %get3A_97 = arith.index_cast %mul3A_94 : i32 to index
      %get3A_98 = tpu.vector_load %arg8[%get3A, %get3A_97] {strides = array<i32>} : memref<64x128xi32, #tpu.memory_space<vmem>>, vector<16xi32>,
      %mul3A_99 = arith.constant 2 : i32
      %mul3A_100 = arith.muli %mul3A_99, %select_n3A : i32
      %add3A_101 = arith.constant 1 : i32
      %add3A_102 = arith.addi %mul3A_100, %add3A_101 : i32
      %get3A_103 = arith.index_cast %add3A_102 : i32 to index
      %get3A_104 = arith.index_cast %mul3A_94 : i32 to index
      %get3A_105 = tpu.vector_load %arg8[%get3A_103, %get3A_104] {strides = array<i32>} : memref<64x128xi32, #tpu.memory_space<vmem>>, vector<16xi32>,
      %shift_right_arithmetic3A = arith.constant 7 : i32
      %shift_right_arithmetic3A_106 = vector.broadcast %shift_right_arithmetic3A : i32 to vector<16xi32>
      %shift_right_arithmetic3A_107 = arith.shrsi %get3A_98, %shift_right_arithmetic3A_106 : vector<16xi32>
      %shift_left3A = arith.constant 1 : i32
      %shift_left3A_108 = vector.broadcast %shift_left3A : i32 to vector<16xi32>
      %shift_left3A_109 = arith.shli %shift_right_arithmetic3A_107, %shift_left3A_108 : vector<16xi32>
      %and3A_110 = arith.constant 127 : i32
      %and3A_111 = vector.broadcast %and3A_110 : i32 to vector<16xi32>
      %and3A_112 = arith.andi %get3A_98, %and3A_111 : vector<16xi32>
      %shift_right_arithmetic3A_113 = arith.constant 7 : i32
      %shift_right_arithmetic3A_114 = vector.broadcast %shift_right_arithmetic3A_113 : i32 to vector<16xi32>
      %shift_right_arithmetic3A_115 = arith.shrsi %get3A_105, %shift_right_arithmetic3A_114 : vector<16xi32>
      %shift_left3A_116 = arith.constant 1 : i32
      %shift_left3A_117 = vector.broadcast %shift_left3A_116 : i32 to vector<16xi32>
      %shift_left3A_118 = arith.shli %shift_right_arithmetic3A_115, %shift_left3A_117 : vector<16xi32>
      %and3A_119 = arith.constant 127 : i32
      %and3A_120 = vector.broadcast %and3A_119 : i32 to vector<16xi32>
      %and3A_121 = arith.andi %get3A_105, %and3A_120 : vector<16xi32>
      %gather3A = tpu.vector_load_idx %arg6[%shift_left3A_109, %and3A_112] : memref<64x128xf32, #tpu.memory_space<vmem>>[vector<16xi32>, vector<16xi32>], vector<16xf32>,
      %add3A_122 = arith.constant 1 : i32
      %add3A_123 = vector.broadcast %add3A_122 : i32 to vector<16xi32>
      %add3A_124 = arith.addi %shift_left3A_109, %add3A_123 : vector<16xi32>
      %gather3A_125 = tpu.vector_load_idx %arg6[%add3A_124, %and3A_112] : memref<64x128xf32, #tpu.memory_space<vmem>>[vector<16xi32>, vector<16xi32>], vector<16xf32>,
      %gather3A_126 = tpu.vector_load_idx %arg7[%shift_left3A_118, %and3A_121] : memref<64x128xf32, #tpu.memory_space<vmem>>[vector<16xi32>, vector<16xi32>], vector<16xf32>,
      %add3A_127 = arith.constant 1 : i32
      %add3A_128 = vector.broadcast %add3A_127 : i32 to vector<16xi32>
      %add3A_129 = arith.addi %shift_left3A_118, %add3A_128 : vector<16xi32>
      %gather3A_130 = tpu.vector_load_idx %arg7[%add3A_129, %and3A_121] : memref<64x128xf32, #tpu.memory_space<vmem>>[vector<16xi32>, vector<16xi32>], vector<16xf32>,
      %sub3A_131 = arith.subf %gather3A, %gather3A_126 : vector<16xf32>
      %abs3A = math.absf %sub3A_131 : vector<16xf32>
      %sub3A_132 = arith.subf %gather3A_125, %gather3A_130 : vector<16xf32>
      %abs3A_133 = math.absf %sub3A_132 : vector<16xf32>
      %add3A_134 = arith.addf %abs3A, %abs3A_133 : vector<16xf32>
      %add3A_135 = arith.addf %scan3A_58, %add3A_134 : vector<16xf32>
      %add3A_136 = arith.constant 1 : i32
      %add3A_137 = arith.addi %mul3A_60, %add3A_136 : i32
      %jit3A_138 = arith.constant 8 : i32
      %div3A_139 = arith.divsi %add3A_137, %jit3A_138 : i32
      %sign3A_140 = arith.constant 0 : i32
      %sign3A_141 = arith.cmpi sgt, %add3A_137, %sign3A_140 : i32
      %sign3A_142 = arith.extui %sign3A_141 : i1 to i32
      %sign3A_143 = arith.constant 0 : i32
      %sign3A_144 = arith.cmpi slt, %add3A_137, %sign3A_143 : i32
      %sign3A_145 = arith.extui %sign3A_144 : i1 to i32
      %sign3A_146 = arith.subi %sign3A_142, %sign3A_145 : i32
      %sign3A_147 = arith.constant 0 : i32
      %sign3A_148 = arith.cmpi sgt, %jit3A_138, %sign3A_147 : i32
      %sign3A_149 = arith.extui %sign3A_148 : i1 to i32
      %sign3A_150 = arith.constant 0 : i32
      %sign3A_151 = arith.cmpi slt, %jit3A_138, %sign3A_150 : i32
      %sign3A_152 = arith.extui %sign3A_151 : i1 to i32
      %sign3A_153 = arith.subi %sign3A_149, %sign3A_152 : i32
      %ne3A_154 = arith.cmpi ne, %sign3A_146, %sign3A_153 : i32
      %rem3A_155 = arith.remsi %add3A_137, %jit3A_138 : i32
      %ne3A_156 = arith.constant 0 : i32
      %ne3A_157 = arith.cmpi ne, %rem3A_155, %ne3A_156 : i32
      %and3A_158 = arith.andi %ne3A_154, %ne3A_157 : i1
      %sub3A_159 = arith.constant 1 : i32
      %sub3A_160 = arith.subi %div3A_139, %sub3A_159 : i32
      %select_n3A_161 = arith.select %and3A_158, %sub3A_160, %div3A_139 : i32
      %jit3A_162 = arith.constant 8 : i32
      %eq3A_163 = arith.constant 0 : i32
      %eq3A_164 = arith.cmpi eq, %jit3A_162, %eq3A_163 : i32
      %jit3A_165 = arith.constant 1 : i32
      %select_n3A_166 = arith.select %eq3A_164, %jit3A_165, %jit3A_162 : i32
      %rem3A_167 = arith.remsi %add3A_137, %select_n3A_166 : i32
      %ne3A_168 = arith.constant 0 : i32
      %ne3A_169 = arith.cmpi ne, %rem3A_167, %ne3A_168 : i32
      %lt3A_170 = arith.constant 0 : i32
      %lt3A_171 = arith.cmpi slt, %rem3A_167, %lt3A_170 : i32
      %lt3A_172 = arith.constant 0 : i32
      %lt3A_173 = arith.cmpi slt, %select_n3A_166, %lt3A_172 : i32
      %ne3A_174 = arith.xori %lt3A_171, %lt3A_173 : i1
      %and3A_175 = arith.andi %ne3A_174, %ne3A_169 : i1
      %add3A_176 = arith.addi %rem3A_167, %select_n3A_166 : i32
      %select_n3A_177 = arith.select %and3A_175, %add3A_176, %rem3A_167 : i32
      %mul3A_178 = arith.constant 16 : i32
      %mul3A_179 = arith.muli %select_n3A_177, %mul3A_178 : i32
      %mul3A_180 = arith.constant 2 : i32
      %mul3A_181 = arith.muli %mul3A_180, %select_n3A_161 : i32
      %get3A_182 = arith.index_cast %mul3A_181 : i32 to index
      %get3A_183 = arith.index_cast %mul3A_179 : i32 to index
      %get3A_184 = tpu.vector_load %arg8[%get3A_182, %get3A_183] {strides = array<i32>} : memref<64x128xi32, #tpu.memory_space<vmem>>, vector<16xi32>,
      %mul3A_185 = arith.constant 2 : i32
      %mul3A_186 = arith.muli %mul3A_185, %select_n3A_161 : i32
      %add3A_187 = arith.constant 1 : i32
      %add3A_188 = arith.addi %mul3A_186, %add3A_187 : i32
      %get3A_189 = arith.index_cast %add3A_188 : i32 to index
      %get3A_190 = arith.index_cast %mul3A_179 : i32 to index
      %get3A_191 = tpu.vector_load %arg8[%get3A_189, %get3A_190] {strides = array<i32>} : memref<64x128xi32, #tpu.memory_space<vmem>>, vector<16xi32>,
      %shift_right_arithmetic3A_192 = arith.constant 7 : i32
      %shift_right_arithmetic3A_193 = vector.broadcast %shift_right_arithmetic3A_192 : i32 to vector<16xi32>
      %shift_right_arithmetic3A_194 = arith.shrsi %get3A_184, %shift_right_arithmetic3A_193 : vector<16xi32>
      %shift_left3A_195 = arith.constant 1 : i32
      %shift_left3A_196 = vector.broadcast %shift_left3A_195 : i32 to vector<16xi32>
      %shift_left3A_197 = arith.shli %shift_right_arithmetic3A_194, %shift_left3A_196 : vector<16xi32>
      %and3A_198 = arith.constant 127 : i32
      %and3A_199 = vector.broadcast %and3A_198 : i32 to vector<16xi32>
      %and3A_200 = arith.andi %get3A_184, %and3A_199 : vector<16xi32>
      %shift_right_arithmetic3A_201 = arith.constant 7 : i32
      %shift_right_arithmetic3A_202 = vector.broadcast %shift_right_arithmetic3A_201 : i32 to vector<16xi32>
      %shift_right_arithmetic3A_203 = arith.shrsi %get3A_191, %shift_right_arithmetic3A_202 : vector<16xi32>
      %shift_left3A_204 = arith.constant 1 : i32
      %shift_left3A_205 = vector.broadcast %shift_left3A_204 : i32 to vector<16xi32>
      %shift_left3A_206 = arith.shli %shift_right_arithmetic3A_203, %shift_left3A_205 : vector<16xi32>
      %and3A_207 = arith.constant 127 : i32
      %and3A_208 = vector.broadcast %and3A_207 : i32 to vector<16xi32>
      %and3A_209 = arith.andi %get3A_191, %and3A_208 : vector<16xi32>
      %gather3A_210 = tpu.vector_load_idx %arg6[%shift_left3A_197, %and3A_200] : memref<64x128xf32, #tpu.memory_space<vmem>>[vector<16xi32>, vector<16xi32>], vector<16xf32>,
      %add3A_211 = arith.constant 1 : i32
      %add3A_212 = vector.broadcast %add3A_211 : i32 to vector<16xi32>
      %add3A_213 = arith.addi %shift_left3A_197, %add3A_212 : vector<16xi32>
      %gather3A_214 = tpu.vector_load_idx %arg6[%add3A_213, %and3A_200] : memref<64x128xf32, #tpu.memory_space<vmem>>[vector<16xi32>, vector<16xi32>], vector<16xf32>,
      %gather3A_215 = tpu.vector_load_idx %arg7[%shift_left3A_206, %and3A_209] : memref<64x128xf32, #tpu.memory_space<vmem>>[vector<16xi32>, vector<16xi32>], vector<16xf32>,
      %add3A_216 = arith.constant 1 : i32
      %add3A_217 = vector.broadcast %add3A_216 : i32 to vector<16xi32>
      %add3A_218 = arith.addi %shift_left3A_206, %add3A_217 : vector<16xi32>
      %gather3A_219 = tpu.vector_load_idx %arg7[%add3A_218, %and3A_209] : memref<64x128xf32, #tpu.memory_space<vmem>>[vector<16xi32>, vector<16xi32>], vector<16xf32>,
      %sub3A_220 = arith.subf %gather3A_210, %gather3A_215 : vector<16xf32>
      %abs3A_221 = math.absf %sub3A_220 : vector<16xf32>
      %sub3A_222 = arith.subf %gather3A_214, %gather3A_219 : vector<16xf32>
      %abs3A_223 = math.absf %sub3A_222 : vector<16xf32>
      %add3A_224 = arith.addf %abs3A_221, %abs3A_223 : vector<16xf32>
      %add3A_225 = arith.addf %add3A_135, %add3A_224 : vector<16xf32>
      %add3A_226 = arith.constant 2 : i32
      %add3A_227 = arith.addi %mul3A_60, %add3A_226 : i32
      %jit3A_228 = arith.constant 8 : i32
      %div3A_229 = arith.divsi %add3A_227, %jit3A_228 : i32
      %sign3A_230 = arith.constant 0 : i32
      %sign3A_231 = arith.cmpi sgt, %add3A_227, %sign3A_230 : i32
      %sign3A_232 = arith.extui %sign3A_231 : i1 to i32
      %sign3A_233 = arith.constant 0 : i32
      %sign3A_234 = arith.cmpi slt, %add3A_227, %sign3A_233 : i32
      %sign3A_235 = arith.extui %sign3A_234 : i1 to i32
      %sign3A_236 = arith.subi %sign3A_232, %sign3A_235 : i32
      %sign3A_237 = arith.constant 0 : i32
      %sign3A_238 = arith.cmpi sgt, %jit3A_228, %sign3A_237 : i32
      %sign3A_239 = arith.extui %sign3A_238 : i1 to i32
      %sign3A_240 = arith.constant 0 : i32
      %sign3A_241 = arith.cmpi slt, %jit3A_228, %sign3A_240 : i32
      %sign3A_242 = arith.extui %sign3A_241 : i1 to i32
      %sign3A_243 = arith.subi %sign3A_239, %sign3A_242 : i32
      %ne3A_244 = arith.cmpi ne, %sign3A_236, %sign3A_243 : i32
      %rem3A_245 = arith.remsi %add3A_227, %jit3A_228 : i32
      %ne3A_246 = arith.constant 0 : i32
      %ne3A_247 = arith.cmpi ne, %rem3A_245, %ne3A_246 : i32
      %and3A_248 = arith.andi %ne3A_244, %ne3A_247 : i1
      %sub3A_249 = arith.constant 1 : i32
      %sub3A_250 = arith.subi %div3A_229, %sub3A_249 : i32
      %select_n3A_251 = arith.select %and3A_248, %sub3A_250, %div3A_229 : i32
      %jit3A_252 = arith.constant 8 : i32
      %eq3A_253 = arith.constant 0 : i32
      %eq3A_254 = arith.cmpi eq, %jit3A_252, %eq3A_253 : i32
      %jit3A_255 = arith.constant 1 : i32
      %select_n3A_256 = arith.select %eq3A_254, %jit3A_255, %jit3A_252 : i32
      %rem3A_257 = arith.remsi %add3A_227, %select_n3A_256 : i32
      %ne3A_258 = arith.constant 0 : i32
      %ne3A_259 = arith.cmpi ne, %rem3A_257, %ne3A_258 : i32
      %lt3A_260 = arith.constant 0 : i32
      %lt3A_261 = arith.cmpi slt, %rem3A_257, %lt3A_260 : i32
      %lt3A_262 = arith.constant 0 : i32
      %lt3A_263 = arith.cmpi slt, %select_n3A_256, %lt3A_262 : i32
      %ne3A_264 = arith.xori %lt3A_261, %lt3A_263 : i1
      %and3A_265 = arith.andi %ne3A_264, %ne3A_259 : i1
      %add3A_266 = arith.addi %rem3A_257, %select_n3A_256 : i32
      %select_n3A_267 = arith.select %and3A_265, %add3A_266, %rem3A_257 : i32
      %mul3A_268 = arith.constant 16 : i32
      %mul3A_269 = arith.muli %select_n3A_267, %mul3A_268 : i32
      %mul3A_270 = arith.constant 2 : i32
      %mul3A_271 = arith.muli %mul3A_270, %select_n3A_251 : i32
      %get3A_272 = arith.index_cast %mul3A_271 : i32 to index
      %get3A_273 = arith.index_cast %mul3A_269 : i32 to index
      %get3A_274 = tpu.vector_load %arg8[%get3A_272, %get3A_273] {strides = array<i32>} : memref<64x128xi32, #tpu.memory_space<vmem>>, vector<16xi32>,
      %mul3A_275 = arith.constant 2 : i32
      %mul3A_276 = arith.muli %mul3A_275, %select_n3A_251 : i32
      %add3A_277 = arith.constant 1 : i32
      %add3A_278 = arith.addi %mul3A_276, %add3A_277 : i32
      %get3A_279 = arith.index_cast %add3A_278 : i32 to index
      %get3A_280 = arith.index_cast %mul3A_269 : i32 to index
      %get3A_281 = tpu.vector_load %arg8[%get3A_279, %get3A_280] {strides = array<i32>} : memref<64x128xi32, #tpu.memory_space<vmem>>, vector<16xi32>,
      %shift_right_arithmetic3A_282 = arith.constant 7 : i32
      %shift_right_arithmetic3A_283 = vector.broadcast %shift_right_arithmetic3A_282 : i32 to vector<16xi32>
      %shift_right_arithmetic3A_284 = arith.shrsi %get3A_274, %shift_right_arithmetic3A_283 : vector<16xi32>
      %shift_left3A_285 = arith.constant 1 : i32
      %shift_left3A_286 = vector.broadcast %shift_left3A_285 : i32 to vector<16xi32>
      %shift_left3A_287 = arith.shli %shift_right_arithmetic3A_284, %shift_left3A_286 : vector<16xi32>
      %and3A_288 = arith.constant 127 : i32
      %and3A_289 = vector.broadcast %and3A_288 : i32 to vector<16xi32>
      %and3A_290 = arith.andi %get3A_274, %and3A_289 : vector<16xi32>
      %shift_right_arithmetic3A_291 = arith.constant 7 : i32
      %shift_right_arithmetic3A_292 = vector.broadcast %shift_right_arithmetic3A_291 : i32 to vector<16xi32>
      %shift_right_arithmetic3A_293 = arith.shrsi %get3A_281, %shift_right_arithmetic3A_292 : vector<16xi32>
      %shift_left3A_294 = arith.constant 1 : i32
      %shift_left3A_295 = vector.broadcast %shift_left3A_294 : i32 to vector<16xi32>
      %shift_left3A_296 = arith.shli %shift_right_arithmetic3A_293, %shift_left3A_295 : vector<16xi32>
      %and3A_297 = arith.constant 127 : i32
      %and3A_298 = vector.broadcast %and3A_297 : i32 to vector<16xi32>
      %and3A_299 = arith.andi %get3A_281, %and3A_298 : vector<16xi32>
      %gather3A_300 = tpu.vector_load_idx %arg6[%shift_left3A_287, %and3A_290] : memref<64x128xf32, #tpu.memory_space<vmem>>[vector<16xi32>, vector<16xi32>], vector<16xf32>,
      %add3A_301 = arith.constant 1 : i32
      %add3A_302 = vector.broadcast %add3A_301 : i32 to vector<16xi32>
      %add3A_303 = arith.addi %shift_left3A_287, %add3A_302 : vector<16xi32>
      %gather3A_304 = tpu.vector_load_idx %arg6[%add3A_303, %and3A_290] : memref<64x128xf32, #tpu.memory_space<vmem>>[vector<16xi32>, vector<16xi32>], vector<16xf32>,
      %gather3A_305 = tpu.vector_load_idx %arg7[%shift_left3A_296, %and3A_299] : memref<64x128xf32, #tpu.memory_space<vmem>>[vector<16xi32>, vector<16xi32>], vector<16xf32>,
      %add3A_306 = arith.constant 1 : i32
      %add3A_307 = vector.broadcast %add3A_306 : i32 to vector<16xi32>
      %add3A_308 = arith.addi %shift_left3A_296, %add3A_307 : vector<16xi32>
      %gather3A_309 = tpu.vector_load_idx %arg7[%add3A_308, %and3A_299] : memref<64x128xf32, #tpu.memory_space<vmem>>[vector<16xi32>, vector<16xi32>], vector<16xf32>,
      %sub3A_310 = arith.subf %gather3A_300, %gather3A_305 : vector<16xf32>
      %abs3A_311 = math.absf %sub3A_310 : vector<16xf32>
      %sub3A_312 = arith.subf %gather3A_304, %gather3A_309 : vector<16xf32>
      %abs3A_313 = math.absf %sub3A_312 : vector<16xf32>
      %add3A_314 = arith.addf %abs3A_311, %abs3A_313 : vector<16xf32>
      %add3A_315 = arith.addf %add3A_225, %add3A_314 : vector<16xf32>
      %add3A_316 = arith.constant 3 : i32
      %add3A_317 = arith.addi %mul3A_60, %add3A_316 : i32
      %jit3A_318 = arith.constant 8 : i32
      %div3A_319 = arith.divsi %add3A_317, %jit3A_318 : i32
      %sign3A_320 = arith.constant 0 : i32
      %sign3A_321 = arith.cmpi sgt, %add3A_317, %sign3A_320 : i32
      %sign3A_322 = arith.extui %sign3A_321 : i1 to i32
      %sign3A_323 = arith.constant 0 : i32
      %sign3A_324 = arith.cmpi slt, %add3A_317, %sign3A_323 : i32
      %sign3A_325 = arith.extui %sign3A_324 : i1 to i32
      %sign3A_326 = arith.subi %sign3A_322, %sign3A_325 : i32
      %sign3A_327 = arith.constant 0 : i32
      %sign3A_328 = arith.cmpi sgt, %jit3A_318, %sign3A_327 : i32
      %sign3A_329 = arith.extui %sign3A_328 : i1 to i32
      %sign3A_330 = arith.constant 0 : i32
      %sign3A_331 = arith.cmpi slt, %jit3A_318, %sign3A_330 : i32
      %sign3A_332 = arith.extui %sign3A_331 : i1 to i32
      %sign3A_333 = arith.subi %sign3A_329, %sign3A_332 : i32
      %ne3A_334 = arith.cmpi ne, %sign3A_326, %sign3A_333 : i32
      %rem3A_335 = arith.remsi %add3A_317, %jit3A_318 : i32
      %ne3A_336 = arith.constant 0 : i32
      %ne3A_337 = arith.cmpi ne, %rem3A_335, %ne3A_336 : i32
      %and3A_338 = arith.andi %ne3A_334, %ne3A_337 : i1
      %sub3A_339 = arith.constant 1 : i32
      %sub3A_340 = arith.subi %div3A_319, %sub3A_339 : i32
      %select_n3A_341 = arith.select %and3A_338, %sub3A_340, %div3A_319 : i32
      %jit3A_342 = arith.constant 8 : i32
      %eq3A_343 = arith.constant 0 : i32
      %eq3A_344 = arith.cmpi eq, %jit3A_342, %eq3A_343 : i32
      %jit3A_345 = arith.constant 1 : i32
      %select_n3A_346 = arith.select %eq3A_344, %jit3A_345, %jit3A_342 : i32
      %rem3A_347 = arith.remsi %add3A_317, %select_n3A_346 : i32
      %ne3A_348 = arith.constant 0 : i32
      %ne3A_349 = arith.cmpi ne, %rem3A_347, %ne3A_348 : i32
      %lt3A_350 = arith.constant 0 : i32
      %lt3A_351 = arith.cmpi slt, %rem3A_347, %lt3A_350 : i32
      %lt3A_352 = arith.constant 0 : i32
      %lt3A_353 = arith.cmpi slt, %select_n3A_346, %lt3A_352 : i32
      %ne3A_354 = arith.xori %lt3A_351, %lt3A_353 : i1
      %and3A_355 = arith.andi %ne3A_354, %ne3A_349 : i1
      %add3A_356 = arith.addi %rem3A_347, %select_n3A_346 : i32
      %select_n3A_357 = arith.select %and3A_355, %add3A_356, %rem3A_347 : i32
      %mul3A_358 = arith.constant 16 : i32
      %mul3A_359 = arith.muli %select_n3A_357, %mul3A_358 : i32
      %mul3A_360 = arith.constant 2 : i32
      %mul3A_361 = arith.muli %mul3A_360, %select_n3A_341 : i32
      %get3A_362 = arith.index_cast %mul3A_361 : i32 to index
      %get3A_363 = arith.index_cast %mul3A_359 : i32 to index
      %get3A_364 = tpu.vector_load %arg8[%get3A_362, %get3A_363] {strides = array<i32>} : memref<64x128xi32, #tpu.memory_space<vmem>>, vector<16xi32>,
      %mul3A_365 = arith.constant 2 : i32
      %mul3A_366 = arith.muli %mul3A_365, %select_n3A_341 : i32
      %add3A_367 = arith.constant 1 : i32
      %add3A_368 = arith.addi %mul3A_366, %add3A_367 : i32
      %get3A_369 = arith.index_cast %add3A_368 : i32 to index
      %get3A_370 = arith.index_cast %mul3A_359 : i32 to index
      %get3A_371 = tpu.vector_load %arg8[%get3A_369, %get3A_370] {strides = array<i32>} : memref<64x128xi32, #tpu.memory_space<vmem>>, vector<16xi32>,
      %shift_right_arithmetic3A_372 = arith.constant 7 : i32
      %shift_right_arithmetic3A_373 = vector.broadcast %shift_right_arithmetic3A_372 : i32 to vector<16xi32>
      %shift_right_arithmetic3A_374 = arith.shrsi %get3A_364, %shift_right_arithmetic3A_373 : vector<16xi32>
      %shift_left3A_375 = arith.constant 1 : i32
      %shift_left3A_376 = vector.broadcast %shift_left3A_375 : i32 to vector<16xi32>
      %shift_left3A_377 = arith.shli %shift_right_arithmetic3A_374, %shift_left3A_376 : vector<16xi32>
      %and3A_378 = arith.constant 127 : i32
      %and3A_379 = vector.broadcast %and3A_378 : i32 to vector<16xi32>
      %and3A_380 = arith.andi %get3A_364, %and3A_379 : vector<16xi32>
      %shift_right_arithmetic3A_381 = arith.constant 7 : i32
      %shift_right_arithmetic3A_382 = vector.broadcast %shift_right_arithmetic3A_381 : i32 to vector<16xi32>
      %shift_right_arithmetic3A_383 = arith.shrsi %get3A_371, %shift_right_arithmetic3A_382 : vector<16xi32>
      %shift_left3A_384 = arith.constant 1 : i32
      %shift_left3A_385 = vector.broadcast %shift_left3A_384 : i32 to vector<16xi32>
      %shift_left3A_386 = arith.shli %shift_right_arithmetic3A_383, %shift_left3A_385 : vector<16xi32>
      %and3A_387 = arith.constant 127 : i32
      %and3A_388 = vector.broadcast %and3A_387 : i32 to vector<16xi32>
      %and3A_389 = arith.andi %get3A_371, %and3A_388 : vector<16xi32>
      %gather3A_390 = tpu.vector_load_idx %arg6[%shift_left3A_377, %and3A_380] : memref<64x128xf32, #tpu.memory_space<vmem>>[vector<16xi32>, vector<16xi32>], vector<16xf32>,
      %add3A_391 = arith.constant 1 : i32
      %add3A_392 = vector.broadcast %add3A_391 : i32 to vector<16xi32>
      %add3A_393 = arith.addi %shift_left3A_377, %add3A_392 : vector<16xi32>
      %gather3A_394 = tpu.vector_load_idx %arg6[%add3A_393, %and3A_380] : memref<64x128xf32, #tpu.memory_space<vmem>>[vector<16xi32>, vector<16xi32>], vector<16xf32>,
      %gather3A_395 = tpu.vector_load_idx %arg7[%shift_left3A_386, %and3A_389] : memref<64x128xf32, #tpu.memory_space<vmem>>[vector<16xi32>, vector<16xi32>], vector<16xf32>,
      %add3A_396 = arith.constant 1 : i32
      %add3A_397 = vector.broadcast %add3A_396 : i32 to vector<16xi32>
      %add3A_398 = arith.addi %shift_left3A_386, %add3A_397 : vector<16xi32>
      %gather3A_399 = tpu.vector_load_idx %arg7[%add3A_398, %and3A_389] : memref<64x128xf32, #tpu.memory_space<vmem>>[vector<16xi32>, vector<16xi32>], vector<16xf32>,
      %sub3A_400 = arith.subf %gather3A_390, %gather3A_395 : vector<16xf32>
      %abs3A_401 = math.absf %sub3A_400 : vector<16xf32>
      %sub3A_402 = arith.subf %gather3A_394, %gather3A_399 : vector<16xf32>
      %abs3A_403 = math.absf %sub3A_402 : vector<16xf32>
      %add3A_404 = arith.addf %abs3A_401, %abs3A_403 : vector<16xf32>
      %add3A_405 = arith.addf %add3A_315, %add3A_404 : vector<16xf32>
      %add3A_406 = arith.constant 4 : i32
      %add3A_407 = arith.addi %mul3A_60, %add3A_406 : i32
      %jit3A_408 = arith.constant 8 : i32
      %div3A_409 = arith.divsi %add3A_407, %jit3A_408 : i32
      %sign3A_410 = arith.constant 0 : i32
      %sign3A_411 = arith.cmpi sgt, %add3A_407, %sign3A_410 : i32
      %sign3A_412 = arith.extui %sign3A_411 : i1 to i32
      %sign3A_413 = arith.constant 0 : i32
      %sign3A_414 = arith.cmpi slt, %add3A_407, %sign3A_413 : i32
      %sign3A_415 = arith.extui %sign3A_414 : i1 to i32
      %sign3A_416 = arith.subi %sign3A_412, %sign3A_415 : i32
      %sign3A_417 = arith.constant 0 : i32
      %sign3A_418 = arith.cmpi sgt, %jit3A_408, %sign3A_417 : i32
      %sign3A_419 = arith.extui %sign3A_418 : i1 to i32
      %sign3A_420 = arith.constant 0 : i32
      %sign3A_421 = arith.cmpi slt, %jit3A_408, %sign3A_420 : i32
      %sign3A_422 = arith.extui %sign3A_421 : i1 to i32
      %sign3A_423 = arith.subi %sign3A_419, %sign3A_422 : i32
      %ne3A_424 = arith.cmpi ne, %sign3A_416, %sign3A_423 : i32
      %rem3A_425 = arith.remsi %add3A_407, %jit3A_408 : i32
      %ne3A_426 = arith.constant 0 : i32
      %ne3A_427 = arith.cmpi ne, %rem3A_425, %ne3A_426 : i32
      %and3A_428 = arith.andi %ne3A_424, %ne3A_427 : i1
      %sub3A_429 = arith.constant 1 : i32
      %sub3A_430 = arith.subi %div3A_409, %sub3A_429 : i32
      %select_n3A_431 = arith.select %and3A_428, %sub3A_430, %div3A_409 : i32
      %jit3A_432 = arith.constant 8 : i32
      %eq3A_433 = arith.constant 0 : i32
      %eq3A_434 = arith.cmpi eq, %jit3A_432, %eq3A_433 : i32
      %jit3A_435 = arith.constant 1 : i32
      %select_n3A_436 = arith.select %eq3A_434, %jit3A_435, %jit3A_432 : i32
      %rem3A_437 = arith.remsi %add3A_407, %select_n3A_436 : i32
      %ne3A_438 = arith.constant 0 : i32
      %ne3A_439 = arith.cmpi ne, %rem3A_437, %ne3A_438 : i32
      %lt3A_440 = arith.constant 0 : i32
      %lt3A_441 = arith.cmpi slt, %rem3A_437, %lt3A_440 : i32
      %lt3A_442 = arith.constant 0 : i32
      %lt3A_443 = arith.cmpi slt, %select_n3A_436, %lt3A_442 : i32
      %ne3A_444 = arith.xori %lt3A_441, %lt3A_443 : i1
      %and3A_445 = arith.andi %ne3A_444, %ne3A_439 : i1
      %add3A_446 = arith.addi %rem3A_437, %select_n3A_436 : i32
      %select_n3A_447 = arith.select %and3A_445, %add3A_446, %rem3A_437 : i32
      %mul3A_448 = arith.constant 16 : i32
      %mul3A_449 = arith.muli %select_n3A_447, %mul3A_448 : i32
      %mul3A_450 = arith.constant 2 : i32
      %mul3A_451 = arith.muli %mul3A_450, %select_n3A_431 : i32
      %get3A_452 = arith.index_cast %mul3A_451 : i32 to index
      %get3A_453 = arith.index_cast %mul3A_449 : i32 to index
      %get3A_454 = tpu.vector_load %arg8[%get3A_452, %get3A_453] {strides = array<i32>} : memref<64x128xi32, #tpu.memory_space<vmem>>, vector<16xi32>,
      %mul3A_455 = arith.constant 2 : i32
      %mul3A_456 = arith.muli %mul3A_455, %select_n3A_431 : i32
      %add3A_457 = arith.constant 1 : i32
      %add3A_458 = arith.addi %mul3A_456, %add3A_457 : i32
      %get3A_459 = arith.index_cast %add3A_458 : i32 to index
      %get3A_460 = arith.index_cast %mul3A_449 : i32 to index
      %get3A_461 = tpu.vector_load %arg8[%get3A_459, %get3A_460] {strides = array<i32>} : memref<64x128xi32, #tpu.memory_space<vmem>>, vector<16xi32>,
      %shift_right_arithmetic3A_462 = arith.constant 7 : i32
      %shift_right_arithmetic3A_463 = vector.broadcast %shift_right_arithmetic3A_462 : i32 to vector<16xi32>
      %shift_right_arithmetic3A_464 = arith.shrsi %get3A_454, %shift_right_arithmetic3A_463 : vector<16xi32>
      %shift_left3A_465 = arith.constant 1 : i32
      %shift_left3A_466 = vector.broadcast %shift_left3A_465 : i32 to vector<16xi32>
      %shift_left3A_467 = arith.shli %shift_right_arithmetic3A_464, %shift_left3A_466 : vector<16xi32>
      %and3A_468 = arith.constant 127 : i32
      %and3A_469 = vector.broadcast %and3A_468 : i32 to vector<16xi32>
      %and3A_470 = arith.andi %get3A_454, %and3A_469 : vector<16xi32>
      %shift_right_arithmetic3A_471 = arith.constant 7 : i32
      %shift_right_arithmetic3A_472 = vector.broadcast %shift_right_arithmetic3A_471 : i32 to vector<16xi32>
      %shift_right_arithmetic3A_473 = arith.shrsi %get3A_461, %shift_right_arithmetic3A_472 : vector<16xi32>
      %shift_left3A_474 = arith.constant 1 : i32
      %shift_left3A_475 = vector.broadcast %shift_left3A_474 : i32 to vector<16xi32>
      %shift_left3A_476 = arith.shli %shift_right_arithmetic3A_473, %shift_left3A_475 : vector<16xi32>
      %and3A_477 = arith.constant 127 : i32
      %and3A_478 = vector.broadcast %and3A_477 : i32 to vector<16xi32>
      %and3A_479 = arith.andi %get3A_461, %and3A_478 : vector<16xi32>
      %gather3A_480 = tpu.vector_load_idx %arg6[%shift_left3A_467, %and3A_470] : memref<64x128xf32, #tpu.memory_space<vmem>>[vector<16xi32>, vector<16xi32>], vector<16xf32>,
      %add3A_481 = arith.constant 1 : i32
      %add3A_482 = vector.broadcast %add3A_481 : i32 to vector<16xi32>
      %add3A_483 = arith.addi %shift_left3A_467, %add3A_482 : vector<16xi32>
      %gather3A_484 = tpu.vector_load_idx %arg6[%add3A_483, %and3A_470] : memref<64x128xf32, #tpu.memory_space<vmem>>[vector<16xi32>, vector<16xi32>], vector<16xf32>,
      %gather3A_485 = tpu.vector_load_idx %arg7[%shift_left3A_476, %and3A_479] : memref<64x128xf32, #tpu.memory_space<vmem>>[vector<16xi32>, vector<16xi32>], vector<16xf32>,
      %add3A_486 = arith.constant 1 : i32
      %add3A_487 = vector.broadcast %add3A_486 : i32 to vector<16xi32>
      %add3A_488 = arith.addi %shift_left3A_476, %add3A_487 : vector<16xi32>
      %gather3A_489 = tpu.vector_load_idx %arg7[%add3A_488, %and3A_479] : memref<64x128xf32, #tpu.memory_space<vmem>>[vector<16xi32>, vector<16xi32>], vector<16xf32>,
      %sub3A_490 = arith.subf %gather3A_480, %gather3A_485 : vector<16xf32>
      %abs3A_491 = math.absf %sub3A_490 : vector<16xf32>
      %sub3A_492 = arith.subf %gather3A_484, %gather3A_489 : vector<16xf32>
      %abs3A_493 = math.absf %sub3A_492 : vector<16xf32>
      %add3A_494 = arith.addf %abs3A_491, %abs3A_493 : vector<16xf32>
      %add3A_495 = arith.addf %add3A_405, %add3A_494 : vector<16xf32>
      %add3A_496 = arith.constant 5 : i32
      %add3A_497 = arith.addi %mul3A_60, %add3A_496 : i32
      %jit3A_498 = arith.constant 8 : i32
      %div3A_499 = arith.divsi %add3A_497, %jit3A_498 : i32
      %sign3A_500 = arith.constant 0 : i32
      %sign3A_501 = arith.cmpi sgt, %add3A_497, %sign3A_500 : i32
      %sign3A_502 = arith.extui %sign3A_501 : i1 to i32
      %sign3A_503 = arith.constant 0 : i32
      %sign3A_504 = arith.cmpi slt, %add3A_497, %sign3A_503 : i32
      %sign3A_505 = arith.extui %sign3A_504 : i1 to i32
      %sign3A_506 = arith.subi %sign3A_502, %sign3A_505 : i32
      %sign3A_507 = arith.constant 0 : i32
      %sign3A_508 = arith.cmpi sgt, %jit3A_498, %sign3A_507 : i32
      %sign3A_509 = arith.extui %sign3A_508 : i1 to i32
      %sign3A_510 = arith.constant 0 : i32
      %sign3A_511 = arith.cmpi slt, %jit3A_498, %sign3A_510 : i32
      %sign3A_512 = arith.extui %sign3A_511 : i1 to i32
      %sign3A_513 = arith.subi %sign3A_509, %sign3A_512 : i32
      %ne3A_514 = arith.cmpi ne, %sign3A_506, %sign3A_513 : i32
      %rem3A_515 = arith.remsi %add3A_497, %jit3A_498 : i32
      %ne3A_516 = arith.constant 0 : i32
      %ne3A_517 = arith.cmpi ne, %rem3A_515, %ne3A_516 : i32
      %and3A_518 = arith.andi %ne3A_514, %ne3A_517 : i1
      %sub3A_519 = arith.constant 1 : i32
      %sub3A_520 = arith.subi %div3A_499, %sub3A_519 : i32
      %select_n3A_521 = arith.select %and3A_518, %sub3A_520, %div3A_499 : i32
      %jit3A_522 = arith.constant 8 : i32
      %eq3A_523 = arith.constant 0 : i32
      %eq3A_524 = arith.cmpi eq, %jit3A_522, %eq3A_523 : i32
      %jit3A_525 = arith.constant 1 : i32
      %select_n3A_526 = arith.select %eq3A_524, %jit3A_525, %jit3A_522 : i32
      %rem3A_527 = arith.remsi %add3A_497, %select_n3A_526 : i32
      %ne3A_528 = arith.constant 0 : i32
      %ne3A_529 = arith.cmpi ne, %rem3A_527, %ne3A_528 : i32
      %lt3A_530 = arith.constant 0 : i32
      %lt3A_531 = arith.cmpi slt, %rem3A_527, %lt3A_530 : i32
      %lt3A_532 = arith.constant 0 : i32
      %lt3A_533 = arith.cmpi slt, %select_n3A_526, %lt3A_532 : i32
      %ne3A_534 = arith.xori %lt3A_531, %lt3A_533 : i1
      %and3A_535 = arith.andi %ne3A_534, %ne3A_529 : i1
      %add3A_536 = arith.addi %rem3A_527, %select_n3A_526 : i32
      %select_n3A_537 = arith.select %and3A_535, %add3A_536, %rem3A_527 : i32
      %mul3A_538 = arith.constant 16 : i32
      %mul3A_539 = arith.muli %select_n3A_537, %mul3A_538 : i32
      %mul3A_540 = arith.constant 2 : i32
      %mul3A_541 = arith.muli %mul3A_540, %select_n3A_521 : i32
      %get3A_542 = arith.index_cast %mul3A_541 : i32 to index
      %get3A_543 = arith.index_cast %mul3A_539 : i32 to index
      %get3A_544 = tpu.vector_load %arg8[%get3A_542, %get3A_543] {strides = array<i32>} : memref<64x128xi32, #tpu.memory_space<vmem>>, vector<16xi32>,
      %mul3A_545 = arith.constant 2 : i32
      %mul3A_546 = arith.muli %mul3A_545, %select_n3A_521 : i32
      %add3A_547 = arith.constant 1 : i32
      %add3A_548 = arith.addi %mul3A_546, %add3A_547 : i32
      %get3A_549 = arith.index_cast %add3A_548 : i32 to index
      %get3A_550 = arith.index_cast %mul3A_539 : i32 to index
      %get3A_551 = tpu.vector_load %arg8[%get3A_549, %get3A_550] {strides = array<i32>} : memref<64x128xi32, #tpu.memory_space<vmem>>, vector<16xi32>,
      %shift_right_arithmetic3A_552 = arith.constant 7 : i32
      %shift_right_arithmetic3A_553 = vector.broadcast %shift_right_arithmetic3A_552 : i32 to vector<16xi32>
      %shift_right_arithmetic3A_554 = arith.shrsi %get3A_544, %shift_right_arithmetic3A_553 : vector<16xi32>
      %shift_left3A_555 = arith.constant 1 : i32
      %shift_left3A_556 = vector.broadcast %shift_left3A_555 : i32 to vector<16xi32>
      %shift_left3A_557 = arith.shli %shift_right_arithmetic3A_554, %shift_left3A_556 : vector<16xi32>
      %and3A_558 = arith.constant 127 : i32
      %and3A_559 = vector.broadcast %and3A_558 : i32 to vector<16xi32>
      %and3A_560 = arith.andi %get3A_544, %and3A_559 : vector<16xi32>
      %shift_right_arithmetic3A_561 = arith.constant 7 : i32
      %shift_right_arithmetic3A_562 = vector.broadcast %shift_right_arithmetic3A_561 : i32 to vector<16xi32>
      %shift_right_arithmetic3A_563 = arith.shrsi %get3A_551, %shift_right_arithmetic3A_562 : vector<16xi32>
      %shift_left3A_564 = arith.constant 1 : i32
      %shift_left3A_565 = vector.broadcast %shift_left3A_564 : i32 to vector<16xi32>
      %shift_left3A_566 = arith.shli %shift_right_arithmetic3A_563, %shift_left3A_565 : vector<16xi32>
      %and3A_567 = arith.constant 127 : i32
      %and3A_568 = vector.broadcast %and3A_567 : i32 to vector<16xi32>
      %and3A_569 = arith.andi %get3A_551, %and3A_568 : vector<16xi32>
      %gather3A_570 = tpu.vector_load_idx %arg6[%shift_left3A_557, %and3A_560] : memref<64x128xf32, #tpu.memory_space<vmem>>[vector<16xi32>, vector<16xi32>], vector<16xf32>,
      %add3A_571 = arith.constant 1 : i32
      %add3A_572 = vector.broadcast %add3A_571 : i32 to vector<16xi32>
      %add3A_573 = arith.addi %shift_left3A_557, %add3A_572 : vector<16xi32>
      %gather3A_574 = tpu.vector_load_idx %arg6[%add3A_573, %and3A_560] : memref<64x128xf32, #tpu.memory_space<vmem>>[vector<16xi32>, vector<16xi32>], vector<16xf32>,
      %gather3A_575 = tpu.vector_load_idx %arg7[%shift_left3A_566, %and3A_569] : memref<64x128xf32, #tpu.memory_space<vmem>>[vector<16xi32>, vector<16xi32>], vector<16xf32>,
      %add3A_576 = arith.constant 1 : i32
      %add3A_577 = vector.broadcast %add3A_576 : i32 to vector<16xi32>
      %add3A_578 = arith.addi %shift_left3A_566, %add3A_577 : vector<16xi32>
      %gather3A_579 = tpu.vector_load_idx %arg7[%add3A_578, %and3A_569] : memref<64x128xf32, #tpu.memory_space<vmem>>[vector<16xi32>, vector<16xi32>], vector<16xf32>,
      %sub3A_580 = arith.subf %gather3A_570, %gather3A_575 : vector<16xf32>
      %abs3A_581 = math.absf %sub3A_580 : vector<16xf32>
      %sub3A_582 = arith.subf %gather3A_574, %gather3A_579 : vector<16xf32>
      %abs3A_583 = math.absf %sub3A_582 : vector<16xf32>
      %add3A_584 = arith.addf %abs3A_581, %abs3A_583 : vector<16xf32>
      %add3A_585 = arith.addf %add3A_495, %add3A_584 : vector<16xf32>
      %add3A_586 = arith.constant 6 : i32
      %add3A_587 = arith.addi %mul3A_60, %add3A_586 : i32
      %jit3A_588 = arith.constant 8 : i32
      %div3A_589 = arith.divsi %add3A_587, %jit3A_588 : i32
      %sign3A_590 = arith.constant 0 : i32
      %sign3A_591 = arith.cmpi sgt, %add3A_587, %sign3A_590 : i32
      %sign3A_592 = arith.extui %sign3A_591 : i1 to i32
      %sign3A_593 = arith.constant 0 : i32
      %sign3A_594 = arith.cmpi slt, %add3A_587, %sign3A_593 : i32
      %sign3A_595 = arith.extui %sign3A_594 : i1 to i32
      %sign3A_596 = arith.subi %sign3A_592, %sign3A_595 : i32
      %sign3A_597 = arith.constant 0 : i32
      %sign3A_598 = arith.cmpi sgt, %jit3A_588, %sign3A_597 : i32
      %sign3A_599 = arith.extui %sign3A_598 : i1 to i32
      %sign3A_600 = arith.constant 0 : i32
      %sign3A_601 = arith.cmpi slt, %jit3A_588, %sign3A_600 : i32
      %sign3A_602 = arith.extui %sign3A_601 : i1 to i32
      %sign3A_603 = arith.subi %sign3A_599, %sign3A_602 : i32
      %ne3A_604 = arith.cmpi ne, %sign3A_596, %sign3A_603 : i32
      %rem3A_605 = arith.remsi %add3A_587, %jit3A_588 : i32
      %ne3A_606 = arith.constant 0 : i32
      %ne3A_607 = arith.cmpi ne, %rem3A_605, %ne3A_606 : i32
      %and3A_608 = arith.andi %ne3A_604, %ne3A_607 : i1
      %sub3A_609 = arith.constant 1 : i32
      %sub3A_610 = arith.subi %div3A_589, %sub3A_609 : i32
      %select_n3A_611 = arith.select %and3A_608, %sub3A_610, %div3A_589 : i32
      %jit3A_612 = arith.constant 8 : i32
      %eq3A_613 = arith.constant 0 : i32
      %eq3A_614 = arith.cmpi eq, %jit3A_612, %eq3A_613 : i32
      %jit3A_615 = arith.constant 1 : i32
      %select_n3A_616 = arith.select %eq3A_614, %jit3A_615, %jit3A_612 : i32
      %rem3A_617 = arith.remsi %add3A_587, %select_n3A_616 : i32
      %ne3A_618 = arith.constant 0 : i32
      %ne3A_619 = arith.cmpi ne, %rem3A_617, %ne3A_618 : i32
      %lt3A_620 = arith.constant 0 : i32
      %lt3A_621 = arith.cmpi slt, %rem3A_617, %lt3A_620 : i32
      %lt3A_622 = arith.constant 0 : i32
      %lt3A_623 = arith.cmpi slt, %select_n3A_616, %lt3A_622 : i32
      %ne3A_624 = arith.xori %lt3A_621, %lt3A_623 : i1
      %and3A_625 = arith.andi %ne3A_624, %ne3A_619 : i1
      %add3A_626 = arith.addi %rem3A_617, %select_n3A_616 : i32
      %select_n3A_627 = arith.select %and3A_625, %add3A_626, %rem3A_617 : i32
      %mul3A_628 = arith.constant 16 : i32
      %mul3A_629 = arith.muli %select_n3A_627, %mul3A_628 : i32
      %mul3A_630 = arith.constant 2 : i32
      %mul3A_631 = arith.muli %mul3A_630, %select_n3A_611 : i32
      %get3A_632 = arith.index_cast %mul3A_631 : i32 to index
      %get3A_633 = arith.index_cast %mul3A_629 : i32 to index
      %get3A_634 = tpu.vector_load %arg8[%get3A_632, %get3A_633] {strides = array<i32>} : memref<64x128xi32, #tpu.memory_space<vmem>>, vector<16xi32>,
      %mul3A_635 = arith.constant 2 : i32
      %mul3A_636 = arith.muli %mul3A_635, %select_n3A_611 : i32
      %add3A_637 = arith.constant 1 : i32
      %add3A_638 = arith.addi %mul3A_636, %add3A_637 : i32
      %get3A_639 = arith.index_cast %add3A_638 : i32 to index
      %get3A_640 = arith.index_cast %mul3A_629 : i32 to index
      %get3A_641 = tpu.vector_load %arg8[%get3A_639, %get3A_640] {strides = array<i32>} : memref<64x128xi32, #tpu.memory_space<vmem>>, vector<16xi32>,
      %shift_right_arithmetic3A_642 = arith.constant 7 : i32
      %shift_right_arithmetic3A_643 = vector.broadcast %shift_right_arithmetic3A_642 : i32 to vector<16xi32>
      %shift_right_arithmetic3A_644 = arith.shrsi %get3A_634, %shift_right_arithmetic3A_643 : vector<16xi32>
      %shift_left3A_645 = arith.constant 1 : i32
      %shift_left3A_646 = vector.broadcast %shift_left3A_645 : i32 to vector<16xi32>
      %shift_left3A_647 = arith.shli %shift_right_arithmetic3A_644, %shift_left3A_646 : vector<16xi32>
      %and3A_648 = arith.constant 127 : i32
      %and3A_649 = vector.broadcast %and3A_648 : i32 to vector<16xi32>
      %and3A_650 = arith.andi %get3A_634, %and3A_649 : vector<16xi32>
      %shift_right_arithmetic3A_651 = arith.constant 7 : i32
      %shift_right_arithmetic3A_652 = vector.broadcast %shift_right_arithmetic3A_651 : i32 to vector<16xi32>
      %shift_right_arithmetic3A_653 = arith.shrsi %get3A_641, %shift_right_arithmetic3A_652 : vector<16xi32>
      %shift_left3A_654 = arith.constant 1 : i32
      %shift_left3A_655 = vector.broadcast %shift_left3A_654 : i32 to vector<16xi32>
      %shift_left3A_656 = arith.shli %shift_right_arithmetic3A_653, %shift_left3A_655 : vector<16xi32>
      %and3A_657 = arith.constant 127 : i32
      %and3A_658 = vector.broadcast %and3A_657 : i32 to vector<16xi32>
      %and3A_659 = arith.andi %get3A_641, %and3A_658 : vector<16xi32>
      %gather3A_660 = tpu.vector_load_idx %arg6[%shift_left3A_647, %and3A_650] : memref<64x128xf32, #tpu.memory_space<vmem>>[vector<16xi32>, vector<16xi32>], vector<16xf32>,
      %add3A_661 = arith.constant 1 : i32
      %add3A_662 = vector.broadcast %add3A_661 : i32 to vector<16xi32>
      %add3A_663 = arith.addi %shift_left3A_647, %add3A_662 : vector<16xi32>
      %gather3A_664 = tpu.vector_load_idx %arg6[%add3A_663, %and3A_650] : memref<64x128xf32, #tpu.memory_space<vmem>>[vector<16xi32>, vector<16xi32>], vector<16xf32>,
      %gather3A_665 = tpu.vector_load_idx %arg7[%shift_left3A_656, %and3A_659] : memref<64x128xf32, #tpu.memory_space<vmem>>[vector<16xi32>, vector<16xi32>], vector<16xf32>,
      %add3A_666 = arith.constant 1 : i32
      %add3A_667 = vector.broadcast %add3A_666 : i32 to vector<16xi32>
      %add3A_668 = arith.addi %shift_left3A_656, %add3A_667 : vector<16xi32>
      %gather3A_669 = tpu.vector_load_idx %arg7[%add3A_668, %and3A_659] : memref<64x128xf32, #tpu.memory_space<vmem>>[vector<16xi32>, vector<16xi32>], vector<16xf32>,
      %sub3A_670 = arith.subf %gather3A_660, %gather3A_665 : vector<16xf32>
      %abs3A_671 = math.absf %sub3A_670 : vector<16xf32>
      %sub3A_672 = arith.subf %gather3A_664, %gather3A_669 : vector<16xf32>
      %abs3A_673 = math.absf %sub3A_672 : vector<16xf32>
      %add3A_674 = arith.addf %abs3A_671, %abs3A_673 : vector<16xf32>
      %add3A_675 = arith.addf %add3A_585, %add3A_674 : vector<16xf32>
      %add3A_676 = arith.constant 7 : i32
      %add3A_677 = arith.addi %mul3A_60, %add3A_676 : i32
      %jit3A_678 = arith.constant 8 : i32
      %div3A_679 = arith.divsi %add3A_677, %jit3A_678 : i32
      %sign3A_680 = arith.constant 0 : i32
      %sign3A_681 = arith.cmpi sgt, %add3A_677, %sign3A_680 : i32
      %sign3A_682 = arith.extui %sign3A_681 : i1 to i32
      %sign3A_683 = arith.constant 0 : i32
      %sign3A_684 = arith.cmpi slt, %add3A_677, %sign3A_683 : i32
      %sign3A_685 = arith.extui %sign3A_684 : i1 to i32
      %sign3A_686 = arith.subi %sign3A_682, %sign3A_685 : i32
      %sign3A_687 = arith.constant 0 : i32
      %sign3A_688 = arith.cmpi sgt, %jit3A_678, %sign3A_687 : i32
      %sign3A_689 = arith.extui %sign3A_688 : i1 to i32
      %sign3A_690 = arith.constant 0 : i32
      %sign3A_691 = arith.cmpi slt, %jit3A_678, %sign3A_690 : i32
      %sign3A_692 = arith.extui %sign3A_691 : i1 to i32
      %sign3A_693 = arith.subi %sign3A_689, %sign3A_692 : i32
      %ne3A_694 = arith.cmpi ne, %sign3A_686, %sign3A_693 : i32
      %rem3A_695 = arith.remsi %add3A_677, %jit3A_678 : i32
      %ne3A_696 = arith.constant 0 : i32
      %ne3A_697 = arith.cmpi ne, %rem3A_695, %ne3A_696 : i32
      %and3A_698 = arith.andi %ne3A_694, %ne3A_697 : i1
      %sub3A_699 = arith.constant 1 : i32
      %sub3A_700 = arith.subi %div3A_679, %sub3A_699 : i32
      %select_n3A_701 = arith.select %and3A_698, %sub3A_700, %div3A_679 : i32
      %jit3A_702 = arith.constant 8 : i32
      %eq3A_703 = arith.constant 0 : i32
      %eq3A_704 = arith.cmpi eq, %jit3A_702, %eq3A_703 : i32
      %jit3A_705 = arith.constant 1 : i32
      %select_n3A_706 = arith.select %eq3A_704, %jit3A_705, %jit3A_702 : i32
      %rem3A_707 = arith.remsi %add3A_677, %select_n3A_706 : i32
      %ne3A_708 = arith.constant 0 : i32
      %ne3A_709 = arith.cmpi ne, %rem3A_707, %ne3A_708 : i32
      %lt3A_710 = arith.constant 0 : i32
      %lt3A_711 = arith.cmpi slt, %rem3A_707, %lt3A_710 : i32
      %lt3A_712 = arith.constant 0 : i32
      %lt3A_713 = arith.cmpi slt, %select_n3A_706, %lt3A_712 : i32
      %ne3A_714 = arith.xori %lt3A_711, %lt3A_713 : i1
      %and3A_715 = arith.andi %ne3A_714, %ne3A_709 : i1
      %add3A_716 = arith.addi %rem3A_707, %select_n3A_706 : i32
      %select_n3A_717 = arith.select %and3A_715, %add3A_716, %rem3A_707 : i32
      %mul3A_718 = arith.constant 16 : i32
      %mul3A_719 = arith.muli %select_n3A_717, %mul3A_718 : i32
      %mul3A_720 = arith.constant 2 : i32
      %mul3A_721 = arith.muli %mul3A_720, %select_n3A_701 : i32
      %get3A_722 = arith.index_cast %mul3A_721 : i32 to index
      %get3A_723 = arith.index_cast %mul3A_719 : i32 to index
      %get3A_724 = tpu.vector_load %arg8[%get3A_722, %get3A_723] {strides = array<i32>} : memref<64x128xi32, #tpu.memory_space<vmem>>, vector<16xi32>,
      %mul3A_725 = arith.constant 2 : i32
      %mul3A_726 = arith.muli %mul3A_725, %select_n3A_701 : i32
      %add3A_727 = arith.constant 1 : i32
      %add3A_728 = arith.addi %mul3A_726, %add3A_727 : i32
      %get3A_729 = arith.index_cast %add3A_728 : i32 to index
      %get3A_730 = arith.index_cast %mul3A_719 : i32 to index
      %get3A_731 = tpu.vector_load %arg8[%get3A_729, %get3A_730] {strides = array<i32>} : memref<64x128xi32, #tpu.memory_space<vmem>>, vector<16xi32>,
      %shift_right_arithmetic3A_732 = arith.constant 7 : i32
      %shift_right_arithmetic3A_733 = vector.broadcast %shift_right_arithmetic3A_732 : i32 to vector<16xi32>
      %shift_right_arithmetic3A_734 = arith.shrsi %get3A_724, %shift_right_arithmetic3A_733 : vector<16xi32>
      %shift_left3A_735 = arith.constant 1 : i32
      %shift_left3A_736 = vector.broadcast %shift_left3A_735 : i32 to vector<16xi32>
      %shift_left3A_737 = arith.shli %shift_right_arithmetic3A_734, %shift_left3A_736 : vector<16xi32>
      %and3A_738 = arith.constant 127 : i32
      %and3A_739 = vector.broadcast %and3A_738 : i32 to vector<16xi32>
      %and3A_740 = arith.andi %get3A_724, %and3A_739 : vector<16xi32>
      %shift_right_arithmetic3A_741 = arith.constant 7 : i32
      %shift_right_arithmetic3A_742 = vector.broadcast %shift_right_arithmetic3A_741 : i32 to vector<16xi32>
      %shift_right_arithmetic3A_743 = arith.shrsi %get3A_731, %shift_right_arithmetic3A_742 : vector<16xi32>
      %shift_left3A_744 = arith.constant 1 : i32
      %shift_left3A_745 = vector.broadcast %shift_left3A_744 : i32 to vector<16xi32>
      %shift_left3A_746 = arith.shli %shift_right_arithmetic3A_743, %shift_left3A_745 : vector<16xi32>
      %and3A_747 = arith.constant 127 : i32
      %and3A_748 = vector.broadcast %and3A_747 : i32 to vector<16xi32>
      %and3A_749 = arith.andi %get3A_731, %and3A_748 : vector<16xi32>
      %gather3A_750 = tpu.vector_load_idx %arg6[%shift_left3A_737, %and3A_740] : memref<64x128xf32, #tpu.memory_space<vmem>>[vector<16xi32>, vector<16xi32>], vector<16xf32>,
      %add3A_751 = arith.constant 1 : i32
      %add3A_752 = vector.broadcast %add3A_751 : i32 to vector<16xi32>
      %add3A_753 = arith.addi %shift_left3A_737, %add3A_752 : vector<16xi32>
      %gather3A_754 = tpu.vector_load_idx %arg6[%add3A_753, %and3A_740] : memref<64x128xf32, #tpu.memory_space<vmem>>[vector<16xi32>, vector<16xi32>], vector<16xf32>,
      %gather3A_755 = tpu.vector_load_idx %arg7[%shift_left3A_746, %and3A_749] : memref<64x128xf32, #tpu.memory_space<vmem>>[vector<16xi32>, vector<16xi32>], vector<16xf32>,
      %add3A_756 = arith.constant 1 : i32
      %add3A_757 = vector.broadcast %add3A_756 : i32 to vector<16xi32>
      %add3A_758 = arith.addi %shift_left3A_746, %add3A_757 : vector<16xi32>
      %gather3A_759 = tpu.vector_load_idx %arg7[%add3A_758, %and3A_749] : memref<64x128xf32, #tpu.memory_space<vmem>>[vector<16xi32>, vector<16xi32>], vector<16xf32>,
      %sub3A_760 = arith.subf %gather3A_750, %gather3A_755 : vector<16xf32>
      %abs3A_761 = math.absf %sub3A_760 : vector<16xf32>
      %sub3A_762 = arith.subf %gather3A_754, %gather3A_759 : vector<16xf32>
      %abs3A_763 = math.absf %sub3A_762 : vector<16xf32>
      %add3A_764 = arith.addf %abs3A_761, %abs3A_763 : vector<16xf32>
      %add3A_765 = arith.addf %add3A_675, %add3A_764 : vector<16xf32>
      scf.yield %add3A_765 : vector<16xf32>
    }
    %scan3A_52 = arith.constant 32 : i32
    %mul3A_53 = arith.constant 1.52587891E-5 : f32
    %mul3A_54 = vector.broadcast %mul3A_53 : f32 to vector<16xf32>
    %mul3A_55 = arith.mulf %scan3A_51, %mul3A_54 : vector<16xf32>
    %swap3A = arith.constant 0 : index
    %swap3A_56 = tpu.vector_load %arg9[%swap3A] {strides = array<i32>} : memref<16xf32, #tpu.memory_space<vmem>>, vector<16xf32>,
    tpu.vector_store %arg9[%swap3A], %mul3A_55 {strides = array<i32>} : memref<16xf32, #tpu.memory_space<vmem>>, vector<16xf32>,
    "tpu.region"() ({
      %run_scoped3A = tpu.sem_alloc : memref<!tpu.dma_semaphore, #tpu.memory_space<semaphore_mem>>
      %dma_start3A_57 = arith.constant 0 : i32
      %dma_start3A_58 = tpu.memref_slice %arg5[%add3A, %dma_start3A_57] : memref<32x16xf32, #tpu.memory_space<hbm>> -> memref<1x16xf32, #tpu.memory_space<hbm>>
      %dma_start3A_59 = tpu.memref_squeeze %dma_start3A_58 : memref<1x16xf32, #tpu.memory_space<hbm>> -> memref<16xf32, #tpu.memory_space<hbm>>
      %dma_start3A_60 = arith.constant 0 : i32
      %dma_start3A_61 = tpu.memref_slice %arg5[%add3A, %dma_start3A_60] : memref<32x16xf32, #tpu.memory_space<hbm>> -> memref<1x16xf32, #tpu.memory_space<hbm>>
      %dma_start3A_62 = tpu.memref_squeeze %dma_start3A_61 : memref<1x16xf32, #tpu.memory_space<hbm>> -> memref<16xf32, #tpu.memory_space<hbm>>
      tpu.enqueue_dma source(%arg9 : memref<16xf32, #tpu.memory_space<vmem>>) target(%dma_start3A_62 : memref<16xf32, #tpu.memory_space<hbm>>) target_semaphore(%run_scoped3A : memref<!tpu.dma_semaphore, #tpu.memory_space<semaphore_mem>>)
      %dma_wait3A_63 = arith.constant 0 : i32
      %dma_wait3A_64 = tpu.memref_slice %arg5[%add3A, %dma_wait3A_63] : memref<32x16xf32, #tpu.memory_space<hbm>> -> memref<1x16xf32, #tpu.memory_space<hbm>>
      %dma_wait3A_65 = tpu.memref_squeeze %dma_wait3A_64 : memref<1x16xf32, #tpu.memory_space<hbm>> -> memref<16xf32, #tpu.memory_space<hbm>>
      %dma_wait3A_66 = arith.constant 0 : i32
      %dma_wait3A_67 = tpu.memref_slice %arg5[%add3A, %dma_wait3A_66] : memref<32x16xf32, #tpu.memory_space<hbm>> -> memref<1x16xf32, #tpu.memory_space<hbm>>
      %dma_wait3A_68 = tpu.memref_squeeze %dma_wait3A_67 : memref<1x16xf32, #tpu.memory_space<hbm>> -> memref<16xf32, #tpu.memory_space<hbm>>
      tpu.wait_dma2 semaphore(%run_scoped3A : memref<!tpu.dma_semaphore, #tpu.memory_space<semaphore_mem>>) src(%arg9 : memref<16xf32, #tpu.memory_space<vmem>>) dst(%dma_wait3A_68 : memref<16xf32, #tpu.memory_space<hbm>>)
      tpu.yield
    }) : () -> ()
    return
  }
}

</mosaic_0001>

<sc_bundles>
// kernel: kernel.3.cloned.1.call-start
scs
__scs_entry_jumppad:
0x0: {  	(pc) =	sbr.rel $0x88, $3  }
0x1: {  	(tag) =	ssettag $0x0;
	lr =	simm.s32 $0x1  }
0x2: {  	[smem:$0x3F9E] =	sst lr;
	_ =	strace $0xD0000000  }
0x3: {  	_ = 	snop  }
0x4: {  	_ = 	snop  }
0x5: {  	_ = 	snop  }
0x6: {  	_ = 	snop  }
0x7: {  	_ = 	snop  }
__scs_overlays_trampoline_lowered:
0x8: {  	[smem:$0x3FAD] =	sst s0  }
0x9: {  	[smem:$0x3FAE] =	sst s1  }
0xa: {  	[smem:$0x3FAF] =	sst s2  }
0xb: {  	[smem:$0x3FB0] =	sst s3  }
0xc: {  	[smem:$0x3FB1] =	sst s4  }
0xd: {  	[smem:$0x3FB2] =	sst s5  }
0xe: {  	[smem:$0x3FB3] =	sst s6  }
0xf: {  	[smem:$0x3FB4] =	sst s7  }
0x10: {  	[smem:$0x3FB5] =	sst s8  }
0x11: {  	[smem:$0x3FB6] =	sst s9;
	s0 =	simm.s32 @!p0 $0x0  }
0x12: {  	s1 =	sld [smem:$0x3F9C];
	s0 =	simm.s32 @p0 $0x1  }
0x13: {  	[smem:$0x3FB7] =	sst s0;
	s0 =	simm.s32 @!p1 $0x0  }
0x14: {  	s2 =	sld [smem:$0x3F9B];
	s0 =	simm.s32 @p1 $0x1  }
0x15: {  	[smem:$0x3FB8] =	sst s0;
	s0 =	simm.s32 @!p2 $0x0  }
0x16: {  	s3 =	sld [smem:$0x3FDB];
	s0 =	simm.s32 @p2 $0x1  }
0x17: {  	s4 =	simm.s32 $0x1BF5;
	[smem:$0x3FBA] =	sst s0  }
0x18: {  	s0 =	sld [smem:$0x3F9D];
	_ =	swait.ge [sflag:s4], $0x0  }
0x19: {  	s7 =	sld [smem:$0x3F9E]  }
0x1a: {  	s8 =	sadd.s32 $0xFFFFE003, lr  }
0x1b: {  	s9 =	sadd.s32 $0xFFFFFEF7, lr;
	s5 =	simm.s32 $0xFFFFFFFF;
	p2 =	slt.u32 s8, $0xFFFFF086  }
0x1c: {  	p1 =	slt.u32 s9, $0xF7A;
	s5 =	simm.s32 @!p2 $0x0  }
0x1d: {  	s5 =	simm.s32 @p1 $0x1;
	p0 =	seq.s32 s7, s2  }
0x1e: {  	s7 =	smul.u32 @!p0 $0xF7A, s2;
	p2 =	seq.s32 @!p0 s5, $0x0  }
0x1f: {  	s9 =	smul.u32 $0xF7A, s1;
	s8 =	simm.s32 @!p0 $0x1BF5;
	p2 =	por !p2, p0  }
0x20: {  	[sflag:s8] =	ssyncset.s32 @!p0 $0xFFFFF086;
	s6 =	sadd.s32 @!p0 s3, s7;
	s7 =	simm.s32 @!p0 $0x108  }
0x21: {  	s3 =	sadd.s32 s3, s9;
	s6 =	sadd.s32 @!p0 $0x88, s6;
	s7 =	simm.s32 @p2 $0x1082  }
0x22: {  	[simem:s7], [sflag:s8] =	dma.local @!p0 [hbm:s6], $0xF7A  }
0x23: {  	s9 =	sor.u32 $0xD0000000, s2;
	s6 =	simm.s32 $0x108;
	_ =	swait.ge @!p0 [sflag:s8], $0x0  }
0x24: {  	s3 =	sadd.s32 $0x88, s3;
	s6 =	simm.s32 @!p1 $0x1082;
	[sflag:s4] =	ssyncset.s32 $0xFFFFF086  }
0x25: {  	[simem:s6], [sflag:s4] =	dma.local [hbm:s3], $0xF7A  }
0x26: {  	[smem:$0x3F9E] =	sst s1;
	(tag) =	ssettag s2;
	_ =	strace s9  }
0x27: {  	s1 =	sld [smem:$0x3FAE]  }
0x28: {  	s2 =	sld [smem:$0x3FAF]  }
0x29: {  	s4 =	sld [smem:$0x3FB1]  }
0x2a: {  	p0 =	seq.s32 s5, $0x0;
	s5 =	sld [smem:$0x3FB2]  }
0x2b: {  	s6 =	sld [smem:$0x3FB3]  }
0x2c: {  	s7 =	sld [smem:$0x3FB4]  }
0x2d: {  	s3 =	simm.s32 $0x108;
	s8 =	sld [smem:$0x3FB5]  }
0x2e: {  	s3 =	simm.s32 @!p0 $0x1082;
	s9 =	sld [smem:$0x3FB6]  }
0x2f: {  	lr =	sadd.s32 s0, s3;
	s0 =	sld [smem:$0x3FAD]  }
0x30: {  	s3 =	sld [smem:$0x3FB0]  }
0x31: {  	[smem:$0x3FB9] =	sst s10  }
0x32: {  	s10 =	sld [smem:$0x3FB7];
	_ =	sdelay $0x3  }
0x33: {  	p0 =	seq.s32 s10, $0x1;
	s10 =	sld [smem:$0x3FB9];
	_ =	sdelay $0x3  }
0x34: {  	[smem:$0x3FB9] =	sst s10  }
0x35: {  	s10 =	sld [smem:$0x3FB8];
	_ =	sdelay $0x3  }
0x36: {  	p1 =	seq.s32 s10, $0x1;
	s10 =	sld [smem:$0x3FB9];
	_ =	sdelay $0x3  }
0x37: {  	[smem:$0x3FB9] =	sst s10  }
0x38: {  	s10 =	sld [smem:$0x3FBA]  }
0x39: {  	_ = 	snop;
	(pc) =	sbr.ind lr, $3  }
0x3a: {  	_ = 	snop  }
0x3b: {  	_ = 	snop  }
0x3c: {  	p2 =	seq.s32 s10, $0x1;
	s10 =	sld [smem:$0x3FB9]  }
0x3d: {  	_ =	shalt  }
0x3e: {  	_ =	shalt  }
0x3f: {  	_ =	shalt  }
0x40: {  	_ =	shalt  }
0x41: {  	_ =	shalt  }
0x42: {  	_ =	shalt  }
0x43: {  	_ =	shalt  }
0x44: {  	_ =	shalt  }
0x45: {  	_ =	shalt  }
0x46: {  	_ =	shalt  }
0x47: {  	_ =	shalt  }
0x48: {  	_ =	shalt  }
0x49: {  	_ =	shalt  }
0x4a: {  	_ =	shalt  }
0x4b: {  	_ =	shalt  }
0x4c: {  	_ =	shalt  }
0x4d: {  	_ =	shalt  }
0x4e: {  	_ =	shalt  }
0x4f: {  	_ =	shalt  }
0x50: {  	_ =	shalt  }
0x51: {  	_ =	shalt  }
0x52: {  	_ =	shalt  }
0x53: {  	_ =	shalt  }
0x54: {  	_ =	shalt  }
0x55: {  	_ =	shalt  }
0x56: {  	_ =	shalt  }
0x57: {  	_ =	shalt  }
0x58: {  	_ =	shalt  }
0x59: {  	_ =	shalt  }
0x5a: {  	_ =	shalt  }
0x5b: {  	_ =	shalt  }
0x5c: {  	_ =	shalt  }
0x5d: {  	_ =	shalt  }
0x5e: {  	_ =	shalt  }
0x5f: {  	_ =	shalt  }
0x60: {  	_ =	shalt  }
0x61: {  	_ =	shalt  }
0x62: {  	_ =	shalt  }
0x63: {  	_ =	shalt  }
0x64: {  	_ =	shalt  }
0x65: {  	_ =	shalt  }
0x66: {  	_ =	shalt  }
0x67: {  	_ =	shalt  }
0x68: {  	_ =	shalt  }
0x69: {  	_ =	shalt  }
0x6a: {  	_ =	shalt  }
0x6b: {  	_ =	shalt  }
0x6c: {  	_ =	shalt  }
0x6d: {  	_ =	shalt  }
0x6e: {  	_ =	shalt  }
0x6f: {  	_ =	shalt  }
0x70: {  	_ =	shalt  }
0x71: {  	_ =	shalt  }
0x72: {  	_ =	shalt  }
0x73: {  	_ =	shalt  }
0x74: {  	_ =	shalt  }
0x75: {  	_ =	shalt  }
0x76: {  	_ =	shalt  }
0x77: {  	_ =	shalt  }
0x78: {  	_ =	shalt  }
0x79: {  	_ =	shalt  }
0x7a: {  	_ =	shalt  }
0x7b: {  	_ =	shalt  }
0x7c: {  	_ =	shalt  }
0x7d: {  	_ =	shalt  }
0x7e: {  	_ =	shalt  }
0x7f: {  	_ =	shalt  }
0x80: {  	_ =	shalt  }
0x81: {  	_ =	shalt  }
0x82: {  	_ =	shalt  }
0x83: {  	_ =	shalt  }
0x84: {  	_ =	shalt  }
0x85: {  	_ =	shalt  }
0x86: {  	_ =	shalt  }
0x87: {  	_ =	shalt  }
.Lfunc_end0:
.L_simem_size_0:
called_computation_lowered:
.L_overlay_start_0:
0x88: {  	s2 =	sld [smem:$0x3FD9]  }
0x89: {  	s3 =	sld [smem:$0x3FFE];
	_ =	sdelay $0x1  }
0x8a: {  	s1 =	srdreg.scid  }
0x8b: {  	s0 =	sand.u32 $0x1, s1  }
0x8c: {  	s17 =	sshll.u32 s0, $0xA;
	s2 =	sadd.s32 s3, s2  }
0x8d: {  	s2 =	sadd.s32 s2, s17  }
0x8e: {  	[smem:$0x3FC5] =	sst s2  }
0x8f: {  	_ = 	snop  }
0x90: {  	s2 =	sld [smem:$0x3FC9]  }
0x91: {  	s18 =	sld [smem:$0x3FC8]  }
0x92: {  	s4 =	sld [smem:$0x3FC7];
	(tm) =	ssettm $0x1  }
0x93: {  	s5 =	sld [smem:$0x3FFB];
	_ =	sdelay $0x3  }
0x94: {  	_ =	strace s5  }
0x95: {  	s5 =	sld [smem:$0x3FFC];
	_ =	sdelay $0x3  }
0x96: {  	_ =	strace s5  }
0x97: {  	s5 =	sld [smem:$0x3FFD];
	_ =	sdelay $0x3  }
0x98: {  	_ =	strace s5  }
0x99: {  	_ =	strace $0x8FFFFFFF  }
0x9a: {  	s19 =	sld [smem:$0x3FDB];
	_ =	sdelay $0x1  }
0x9b: {  	s6 =	simm.s32 $_scs_section_size  }
0x9c: {  	s7 =	simm.s32 $_size__tile_overlayer_lowered;
	s8 =	simm.s32 $_tile_overlayer_lowered  }
0x9d: {  	s22 =	simm.s32 $0x1BFF;
	s21 =	sshll.u32 s8, $0x1;
	s5 =	sadd.s32 s6, s19  }
0x9e: {  	s9 =	simm.s32 $0x0;
	s20 =	sshll.u32 s7, $0x1;
	s7 =	sadd.s32 s21, s5  }
0x9f: {  	[timem:s9], [sflag:s22] =	dma.local [hbm:s7], s20  }
0xa0: {  	_ =	swait.ge [sflag:s22], s20  }
0xa1: {  	s6 =	ssub.s32 $0x0, s20;
	[sflag:s22] =	ssyncset.done $0x0  }
0xa2: {  	[sflag:s22] =	ssyncadd.s32 s6;
	_ =	sdelay $0x1  }
0xa3: {  	s23 =	simm.s32 $0x1B8B  }
0xa4: {  	_ =	swait.ge [sflag:s23], $0x1  }
0xa5: {  	[sflag:s23] =	ssyncset.done $0x0  }
0xa6: {  	s25 =	simm.s32 $0x1B8E;
	s24 =	sld [smem:$0x3FFE];
	[sflag:s23] =	ssyncadd.s32 $0xFFFFFFFF  }
0xa7: {  	s26 =	simm.s32 $execute0_lowered;
	[smem:$0x3FD2] =	sst s25  }
0xa8: {  	s7 =	sshll.u32 s26, $0x1;
	_ =	strace $0x80000046;
	[dreg:$0x1] =	wrdreg $0xFFFFFFFF  }
0xa9: {  	s28 =	simm.s32 $_size_execute0_lowered;
	s5 =	sadd.s32 s5, s7;
	[dreg:$0x0] =	wrdreg $0x0  }
0xaa: {  	s7 =	sshll.u32 s28, $0x1;
	[dreg:$0x2] =	wrdreg s5  }
0xab: {  	[dreg:$0x3] =	wrdreg s7  }
0xac: {  	[dreg:$0x4] =	wrdreg $0xC0  }
0xad: {  	_ =	task [dreg:s9], $0x5FFFF  }
0xae: {  	[dreg:$0x1] =	wrdreg $0xFFFFFFFF  }
0xaf: {  	[dreg:$0x0] =	wrdreg $0x60  }
0xb0: {  	[dreg:$0x2] =	wrdreg s2  }
0xb1: {  	[dreg:$0x3] =	wrdreg s18  }
0xb2: {  	[dreg:$0x4] =	wrdreg s4  }
0xb3: {  	[dreg:$0x5] =	wrdreg s24  }
0xb4: {  	[dreg:$0x6] =	wrdreg $0x9  }
0xb5: {  	_ =	task.clear_ibuf [dreg:s9], $0x7FFFF;
	_ =	strace $0x90000046  }
0xb6: {  	s29 =	simm.s32 $0x9;
	_ =	strace $0x80000048  }
0xb7: {  	_ =	swait.ge [sflag:s29], $0x1  }
0xb8: {  	[sflag:s29] =	ssyncadd.s32 $0xFFFFFFFF  }
0xb9: {  	_ =	strace $0x90000048  }
0xba: {  	_ =	sfence  }
0xbb: {  	s30 =	sld [smem:$0x0];
	_ =	sdelay $0x2  }
0xbc: {  	s31 =	sshll.u32 s1, $0xD;
	s1 =	sshrl.u32 s1, $0x2  }
0xbd: {  	s3 =	sand.u32 $0x4000, s31;
	s1 =	sadd.s32 s1, s30  }
0xbe: {  	s0 =	sor.u32 s3, s0;
	s1 =	sshll.u32 s1, $0x11  }
0xbf: {  	s0 =	sor.u32 s1, s0  }
0xc0: {  	s0 =	sadd.s32 $0x8F2B, s0  }
0xc1: {  	[sflag:s0] =	ssyncadd.remote.s32 $0x1  }
0xc2: {  	_ =	sfence.sel $0xFFFF  }
0xc3: {  	[dreg:$0x0] =	wrdreg $0xFFFFFFFF;
	(pc) =	sbr.abs _section_cstart, $3  }
0xc4: {  	[dreg:$0x1] =	wrdreg $0xFFFFFFFF  }
0xc5: {  	_ =	task.clear_ibuf [dreg:s9], $0x2FFFF;
	_ =	strace $0x9FFFFFFF  }
0xc6: {  	(tm) =	ssettm $0x7FFFFFFF  }
0xc7: {  	_ =	shalt  }
tec
execute0_lowered:
.L_overlay_start_1:
0x0: {  	(tag) =	ssettag $0x1  }
0x1: {  	s3 =	rddreg [dreg:$0x0]  }
0x2: {  	s4 =	rddreg [dreg:$0x1]  }
0x3: {  	s5 =	rddreg [dreg:$0x2]  }
0x4: {  	s6 =	rddreg [dreg:$0x3]  }
0x5: {  	s1 =	srdreg.scid;
	s0 =	rddreg [dreg:$0x4];
	s2 =	simm.s32 $0x0  }
0x6: {  	s12 =	simm.s32 $0x3;
	s13 =	simm.s32 $0x6000;
	s14 =	simm.s32 $0x4  }
0x7: {  	s15 =	simm.s32 $0x0;
	s7 =	sand.u32 $0x1, s1;
	s1 =	stileid.u32  }
0x8: {  	[smem:$0x7FF] =	sst s2;
	s8 =	ssub.s32 $0x2, s7;
	s10 =	sshll.u32 s1, $0xA  }
0x9: {  	_ =	strace $0x80000047;
	s30 =	sshll.u32 s1, $0xB;
	s11 =	sshll.u32 s7, $0xA  }
0xa: {  	s7 =	sshll.u32 s7, $0x4;
	s31 =	sshll.u32 s1, $0x5;
	s9 =	sshrl.u32 s8, $0x1  }
0xb: {  	s3 =	sadd.s32 s3, s10;
	s5 =	sadd.s32 s5, s11;
	s6 =	sadd.s32 s6, s7  }
0xc: {  	s4 =	sadd.s32 s4, s10;
	s10 =	simm.s32 $0x1;
	s11 =	simm.s32 $0x2  }
0xd: {  	s8 =	ssub.s32 s8, s9;
	s5 =	sadd.s32 s30, s5;
	s6 =	sadd.s32 s31, s6  }
0xe: {  	s9 =	simm.s32 $0x4000;
	s7 =	smax.u32 s8, $0x1;
	s8 =	simm.s32 $0x2000  }
.LBB2_1:
0xf: {  	[tilespmem:s2], [sflag:$0x1] =	stream.linear.gather [hbm4b:s3+s2], $0x2000, $0x38;
	[tilespmem:$0x6080] =	vst v63  }
0x10: {  	_ = 	snop  }
0x11: {  	[tilespmem:s8], [sflag:$0x2] =	stream.linear.gather [hbm4b:s4+s2], $0x2000, $0x38;
	[tilespmem:$0x6080] =	vst v63  }
0x12: {  	_ = 	snop  }
0x13: {  	[tilespmem:s9], [sflag:$0x3] =	stream.linear.gather [hbm4b:s5+s2], $0x2000, $0x38;
	[tilespmem:$0x6080] =	vst v63  }
0x14: {  	_ =	swait.ge [sflag:s10], $0x2000  }
0x15: {  	[sflag:s10] =	ssyncset.done $0x0  }
0x16: {  	[sflag:s10] =	ssyncadd.s32 $0xFFFFE000  }
0x17: {  	_ =	swait.ge [sflag:s11], $0x2000  }
0x18: {  	[sflag:s11] =	ssyncset.done $0x0  }
0x19: {  	[sflag:s11] =	ssyncadd.s32 $0xFFFFE000  }
0x1a: {  	_ =	swait.ge [sflag:s12], $0x2000  }
0x1b: {  	[sflag:s12] =	ssyncset.done $0x0  }
0x1c: {  	s16 =	simm.s32 $0x0;
	[sflag:s12] =	ssyncadd.s32 $0xFFFFE000  }
0x1d: {  	v1 =	vld [tilespmem:s16+$0x4020]  }
0x1e: {  	v2 =	vld [tilespmem:s16+$0x4090]  }
0x1f: {  	v4 =	vld [tilespmem:s16+$0x4010]  }
0x20: {  	v3 =	vld [tilespmem:s16+$0x4080]  }
0x21: {  	v0 =	vld [tilespmem:s16+$0x40A0]  }
0x22: {  	v5 =	vld [tilespmem:s16+$0x4000]  }
0x23: {  	v6 =	vld [tilespmem:s16+$0x4030]  }
0x24: {  	v7 =	vld [tilespmem:s16+$0x40B0]  }
0x25: {  	v9 =	vld [tilespmem:s16+$0x4040]  }
0x26: {  	v10 =	vld [tilespmem:s16+$0x40C0];
	v8 =	vshll.u32 v0, $0x1  }
0x27: {  	v12 =	vld [tilespmem:s16+$0x4050];
	v11 =	vshll.u32 v5, $0x1;
	v0 =	vand.u32 $0x7F, v0;
	v8 =	vand.u32 $0xFFFFFF00, v8  }
0x28: {  	v13 =	vld [tilespmem:s16+$0x40D0];
	v5 =	vand.u32 $0x7F, v5;
	v11 =	vand.u32 $0xFFFFFF00, v11;
	v8 =	vor.u32 v0, v8  }
0x29: {  	v14 =	vld [tilespmem:s16+$0x4070];
	v16 =	vshll.u32 v3, $0x1;
	v5 =	vor.u32 v5, v11;
	v11 =	vshll.u32 v6, $0x1  }
0x2a: {  	v17 =	vld [tilespmem:s16+$0x4060];
	v6 =	vand.u32 $0x7F, v6;
	v15 =	vor.u32 $0x80, v8;
	v11 =	vand.u32 $0xFFFFFF00, v11  }
0x2b: {  	v18 =	vld [tilespmem:s16+$0x40E0];
	v3 =	vand.u32 $0x7F, v3;
	v21 =	vshll.u32 v9, $0x1;
	v6 =	vor.u32 v6, v11  }
0x2c: {  	v0 =	vld [tilespmem:s16+$0x40F0];
	v11 =	vand.u32 $0xFFFFFF00, v16;
	v16 =	vshll.u32 v7, $0x1;
	v19 =	vor.u32 $0x80, v6  }
0x2d: {  	v7 =	vand.u32 $0x7F, v7;
	v11 =	vor.u32 v3, v11;
	v3 =	vand.u32 $0xFFFFFF00, v16;
	v22 =	vld.idx.msk [tilespmem:v8+s8+$0x0], $0xffff  }
0x2e: {  	v9 =	vand.u32 $0x7F, v9;
	v16 =	vand.u32 $0x7F, v2;
	v7 =	vor.u32 v7, v3;
	v23 =	vld.idx.msk [tilespmem:v5+s2+$0x0], $0xffff  }
0x2f: {  	v2 =	vshll.u32 v2, $0x1;
	v3 =	vshll.u32 v1, $0x1;
	v20 =	vor.u32 $0x80, v11;
	v8 =	vld.idx.msk [tilespmem:v15+s8+$0x0], $0xffff  }
0x30: {  	v2 =	vand.u32 $0xFFFFFF00, v2;
	v5 =	vor.u32 $0x80, v5;
	v15 =	vld.idx.msk [tilespmem:v6+s2+$0x0], $0xffff;
	v6 =	vand.u32 $0xFFFFFF00, v21  }
0x31: {  	v2 =	vor.u32 v16, v2;
	v9 =	vor.u32 v9, v6;
	v6 =	vand.u32 $0xFFFFFF00, v3;
	v3 =	vld.idx.msk [tilespmem:v19+s2+$0x0], $0xffff  }
0x32: {  	v1 =	vand.u32 $0x7F, v1;
	v19 =	vshll.u32 v14, $0x1;
	v24 =	vld.idx.msk [tilespmem:v11+s8+$0x0], $0xffff  }
0x33: {  	v1 =	vor.u32 v1, v6;
	v6 =	vand.u32 $0x7F, v14;
	v21 =	vld.idx.msk [tilespmem:v7+s8+$0x0], $0xffff;
	v11 =	vand.u32 $0xFFFFFF00, v19  }
0x34: {  	v14 =	vshll.u32 v4, $0x1;
	v19 =	vld.idx.msk [tilespmem:v20+s8+$0x0], $0xffff;
	v4 =	vand.u32 $0x7F, v4;
	v6 =	vor.u32 v6, v11  }
0x35: {  	v11 =	vand.u32 $0xFFFFFF00, v14;
	v25 =	vld.idx.msk [tilespmem:v5+s2+$0x0], $0xffff;
	v5 =	vshll.u32 v10, $0x1;
	v16 =	vor.u32 $0x80, v6  }
0x36: {  	v10 =	vand.u32 $0x7F, v10;
	v28 =	vld.idx.msk [tilespmem:v2+s8+$0x0], $0xffff;
	v4 =	vor.u32 v4, v11;
	v11 =	vor.u32 $0x80, v2  }
0x37: {  	v20 =	vand.u32 $0xFFFFFF00, v5;
	v5 =	vshll.u32 v18, $0x1;
	v18 =	vand.u32 $0x7F, v18;
	v14 =	vld.idx.msk [tilespmem:v9+s2+$0x0], $0xffff  }
0x38: {  	v2 =	vshll.u32 v13, $0x1;
	v26 =	vor.u32 $0x80, v4;
	v5 =	vand.u32 $0xFFFFFF00, v5;
	v27 =	vld.idx.msk [tilespmem:v1+s2+$0x0], $0xffff  }
0x39: {  	v10 =	vor.u32 v10, v20;
	v5 =	vor.u32 v18, v5;
	v18 =	vor.u32 $0x80, v1;
	v1 =	vld.idx.msk [tilespmem:v6+s2+$0x0], $0xffff  }
0x3a: {  	v6 =	vand.u32 $0xFFFFFF00, v2;
	v2 =	vld.idx.msk [tilespmem:v16+s2+$0x0], $0xffff  }
0x3b: {  	v13 =	vand.u32 $0x7F, v13;
	v29 =	vor.u32 $0x80, v5;
	v16 =	vshll.u32 v12, $0x1;
	v31 =	vld.idx.msk [tilespmem:v11+s8+$0x0], $0xffff  }
0x3c: {  	v30 =	vor.u32 v13, v6;
	v11 =	vand.u32 $0x7F, v12;
	v33 =	vld.idx.msk [tilespmem:v4+s2+$0x0], $0xffff;
	v6 =	vand.u32 $0xFFFFFF00, v16  }
0x3d: {  	v15 =	vsub.f32 v15, v21;
	v32 =	vor.u32 $0x80, v30;
	v26 =	vld.idx.msk [tilespmem:v26+s2+$0x0], $0xffff;
	v6 =	vor.u32 v11, v6  }
0x3e: {  	v25 =	vsub.f32 v25, v19;
	v21 =	vld.idx.msk [tilespmem:v10+s8+$0x0], $0xffff;
	v11 =	vshll.u32 v17, $0x1;
	v34 =	vor.u32 $0x80, v6  }
0x3f: {  	v16 =	vor.u32 $0x80, v9;
	v12 =	vld.idx.msk [tilespmem:v18+s2+$0x0], $0xffff;
	v4 =	vand.u32 $0xFFFFFF00, v11;
	v11 =	vand.u32 $0x7F, v17  }
0x40: {  	v20 =	vimm.f32 $0.0e+00;
	v24 =	vsub.f32 v23, v24;
	v9 =	vor.u32 v11, v4;
	v4 =	vld.idx.msk [tilespmem:v29+s8+$0x0], $0xffff  }
0x41: {  	v13 =	vor.u32 $0x80, v10;
	v23 =	vand.u32 $0x7FFFFFFF, v25;
	v17 =	vshll.u32 v0, $0x1;
	v10 =	vld.idx.msk [tilespmem:v30+s8+$0x0], $0xffff  }
0x42: {  	v18 =	vsub.f32 v27, v22;
	v11 =	vor.u32 $0x80, v7;
	v17 =	vand.u32 $0xFFFFFF00, v17;
	v19 =	vld.idx.msk [tilespmem:v32+s8+$0x0], $0xffff  }
0x43: {  	s16 =	simm.s32 $0x400;
	v7 =	vor.u32 $0x80, v9;
	v25 =	vsub.f32 v26, v31;
	v26 =	vsub.f32 v33, v28;
	v22 =	vld.idx.msk [tilespmem:v34+s2+$0x0], $0xffff  }
.LBB2_2:
0x44: {  	s17 =	sshra.s32 s16, $0x2;
	p0 =	sne.s32 s16, $0x7C00;
	s16 =	sadd.s32 $0x400, s16;
	v16 =	vld.idx.msk [tilespmem:v16+s2+$0x0], $0xffff  }
0x45: {  	v25 =	vand.u32 $0x7FFFFFFF, v25;
	v27 =	vld [tilespmem:s17+$0x4020];
	v26 =	vand.u32 $0x7FFFFFFF, v26  }
0x46: {  	v28 =	vld [tilespmem:s17+$0x4090];
	v25 =	vadd.f32 v25, v26;
	v26 =	vand.u32 $0x7FFFFFFF, v15  }
0x47: {  	v15 =	vand.u32 $0x7FFFFFFF, v24;
	v29 =	vld [tilespmem:s17+$0x4010]  }
0x48: {  	v14 =	vsub.f32 v14, v21;
	v15 =	vadd.f32 v23, v15;
	v24 =	vld [tilespmem:s17+$0x4080]  }
0x49: {  	v8 =	vsub.f32 v12, v8;
	v12 =	vsub.f32 v22, v19;
	v21 =	vld [tilespmem:s17+$0x4000]  }
0x4a: {  	v18 =	vand.u32 $0x7FFFFFFF, v18;
	v0 =	vand.u32 $0x7F, v0;
	v15 =	vadd.f32 v15, v20;
	v19 =	vld [tilespmem:s17+$0x40A0]  }
0x4b: {  	v17 =	vor.u32 v0, v17;
	v8 =	vand.u32 $0x7FFFFFFF, v8;
	v12 =	vand.u32 $0x7FFFFFFF, v12;
	v20 =	vld [tilespmem:s17+$0x4030]  }
0x4c: {  	v8 =	vadd.f32 v8, v18;
	v0 =	vadd.f32 v25, v15;
	v15 =	vand.u32 $0x7FFFFFFF, v14;
	v22 =	vld [tilespmem:s17+$0x40B0]  }
0x4d: {  	v18 =	vand.u32 $0x7F, v28;
	v25 =	vor.u32 $0x80, v17;
	v14 =	vand.u32 $0x7F, v29;
	v23 =	vld [tilespmem:s17+$0x4040]  }
0x4e: {  	v29 =	vshll.u32 v29, $0x1;
	v31 =	vshll.u32 v24, $0x1;
	v30 =	vshll.u32 v21, $0x1;
	v32 =	vld [tilespmem:s17+$0x40C0]  }
0x4f: {  	v28 =	vshll.u32 v28, $0x1;
	v24 =	vand.u32 $0x7F, v24;
	v33 =	vshll.u32 v19, $0x1;
	v34 =	vld [tilespmem:s17+$0x4050]  }
0x50: {  	v36 =	vadd.f32 v8, v0;
	v31 =	vand.u32 $0xFFFFFF00, v31;
	v33 =	vand.u32 $0xFFFFFF00, v33;
	v35 =	vld [tilespmem:s17+$0x40D0]  }
0x51: {  	v8 =	vand.u32 $0xFFFFFF00, v30;
	v0 =	vand.u32 $0x7F, v19;
	v19 =	vshll.u32 v27, $0x1;
	v30 =	vld [tilespmem:s17+$0x4070]  }
0x52: {  	v21 =	vand.u32 $0x7F, v21;
	v27 =	vand.u32 $0x7F, v27;
	v33 =	vor.u32 v0, v33;
	v0 =	vld [tilespmem:s17+$0x40F0]  }
0x53: {  	v29 =	vand.u32 $0xFFFFFF00, v29;
	v24 =	vor.u32 v24, v31;
	v31 =	vshll.u32 v22, $0x1;
	v11 =	vld.idx.msk [tilespmem:v11+s8+$0x0], $0xffff  }
0x54: {  	v8 =	vor.u32 v21, v8;
	v21 =	vand.u32 $0xFFFFFF00, v28;
	v28 =	vand.u32 $0xFFFFFF00, v31;
	v31 =	vld [tilespmem:s17+$0x4060]  }
0x55: {  	v37 =	vor.u32 $0x80, v24;
	v38 =	vshll.u32 v20, $0x1;
	v22 =	vand.u32 $0x7F, v22;
	v13 =	vld.idx.msk [tilespmem:v13+s8+$0x0], $0xffff  }
0x56: {  	v38 =	vand.u32 $0xFFFFFF00, v38;
	v39 =	vor.u32 $0x80, v33;
	v40 =	vshll.u32 v23, $0x1;
	v41 =	vld [tilespmem:s17+$0x40E0]  }
0x57: {  	v20 =	vand.u32 $0x7F, v20;
	v42 =	vshll.u32 v32, $0x1;
	v43 =	vshll.u32 v30, $0x1;
	v33 =	vld.idx.msk [tilespmem:v33+s8+$0x0], $0xffff  }
0x58: {  	v20 =	vor.u32 v20, v38;
	v38 =	vand.u32 $0xFFFFFF00, v42;
	v30 =	vand.u32 $0x7F, v30;
	v42 =	vld.idx.msk [tilespmem:v6+s2+$0x0], $0xffff  }
0x59: {  	v44 =	vor.u32 $0x80, v20;
	v32 =	vand.u32 $0x7F, v32;
	v3 =	vsub.f32 v3, v11;
	v17 =	vld.idx.msk [tilespmem:v17+s8+$0x0], $0xffff  }
0x5a: {  	v11 =	vand.u32 $0x7F, v23;
	v6 =	vshll.u32 v34, $0x1;
	v23 =	vshll.u32 v35, $0x1;
	v45 =	vld.idx.msk [tilespmem:v8+s2+$0x0], $0xffff  }
0x5b: {  	v46 =	vor.u32 $0x80, v8;
	v6 =	vand.u32 $0xFFFFFF00, v6;
	v23 =	vand.u32 $0xFFFFFF00, v23;
	v8 =	vld.idx.msk [tilespmem:v39+s8+$0x0], $0xffff  }
0x5c: {  	v22 =	vor.u32 v22, v28;
	v28 =	vand.u32 $0x7F, v34;
	v13 =	vsub.f32 v16, v13;
	v25 =	vld.idx.msk [tilespmem:v25+s8+$0x0], $0xffff  }
0x5d: {  	v6 =	vor.u32 v28, v6;
	v16 =	vshll.u32 v31, $0x1;
	v3 =	vand.u32 $0x7FFFFFFF, v3;
	v28 =	vld.idx.msk [tilespmem:v9+s2+$0x0], $0xffff  }
0x5e: {  	v34 =	vand.u32 $0xFFFFFF00, v16;
	v13 =	vand.u32 $0x7FFFFFFF, v13;
	v9 =	vand.u32 $0xFFFFFF00, v40;
	v20 =	vld.idx.msk [tilespmem:v20+s2+$0x0], $0xffff  }
0x5f: {  	v26 =	vadd.f32 v3, v26;
	v39 =	vor.u32 v11, v9;
	v9 =	vshll.u32 v41, $0x1;
	v40 =	vld.idx.msk [tilespmem:v5+s8+$0x0], $0xffff  }
0x60: {  	v11 =	vand.u32 $0x7F, v35;
	v5 =	vand.u32 $0xFFFFFF00, v19;
	v16 =	vor.u32 $0x80, v39;
	v3 =	vld.idx.msk [tilespmem:v44+s2+$0x0], $0xffff  }
0x61: {  	v19 =	vor.u32 v27, v5;
	v27 =	vor.u32 v11, v23;
	v5 =	vand.u32 $0xFFFFFF00, v9;
	v23 =	vld.idx.msk [tilespmem:v7+s2+$0x0], $0xffff  }
0x62: {  	v11 =	vand.u32 $0x7F, v41;
	v35 =	vor.u32 $0x80, v27;
	v7 =	vand.u32 $0x7F, v31;
	v24 =	vld.idx.msk [tilespmem:v24+s8+$0x0], $0xffff  }
0x63: {  	v18 =	vor.u32 v18, v21;
	v41 =	vand.u32 $0xFFFFFF00, v43;
	v31 =	vor.u32 $0x80, v6;
	v21 =	vld.idx.msk [tilespmem:v22+s8+$0x0], $0xffff  }
0x64: {  	v29 =	vor.u32 v14, v29;
	v30 =	vor.u32 v30, v41;
	v9 =	vor.u32 v7, v34;
	v37 =	vld.idx.msk [tilespmem:v37+s8+$0x0], $0xffff  }
0x65: {  	v41 =	vor.u32 $0x80, v29;
	v5 =	vor.u32 v11, v5;
	v43 =	vor.u32 $0x80, v30;
	v34 =	vld.idx.msk [tilespmem:v46+s2+$0x0], $0xffff  }
0x66: {  	v10 =	vsub.f32 v42, v10;
	v44 =	vor.u32 $0x80, v18;
	v11 =	vor.u32 $0x80, v22;
	v14 =	vld.idx.msk [tilespmem:v39+s2+$0x0], $0xffff  }
0x67: {  	v42 =	vadd.f32 v13, v15;
	v28 =	vsub.f32 v28, v40;
	v39 =	vshll.u32 v0, $0x1;
	v22 =	vld.idx.msk [tilespmem:v19+s2+$0x0], $0xffff  }
0x68: {  	v7 =	vor.u32 $0x80, v9;
	v40 =	vld.idx.msk [tilespmem:v18+s8+$0x0], $0xffff;
	v18 =	vor.u32 $0x80, v19;
	v19 =	vor.u32 v32, v38  }
0x69: {  	v26 =	vadd.f32 v26, v36;
	v10 =	vand.u32 $0x7FFFFFFF, v10;
	v13 =	vor.u32 $0x80, v19;
	v30 =	vld.idx.msk [tilespmem:v30+s2+$0x0], $0xffff  }
0x6a: {  	v10 =	vadd.f32 v12, v10;
	v15 =	vsub.f32 v20, v21;
	v20 =	vor.u32 $0x80, v5;
	v32 =	vld.idx.msk [tilespmem:v43+s2+$0x0], $0xffff  }
0x6b: {  	v1 =	vsub.f32 v1, v17;
	v4 =	vsub.f32 v23, v4;
	v21 =	vand.u32 $0x7FFFFFFF, v28;
	v36 =	vld.idx.msk [tilespmem:v44+s8+$0x0], $0xffff  }
0x6c: {  	v2 =	vsub.f32 v2, v25;
	v23 =	vadd.f32 v42, v26;
	v17 =	vand.u32 $0xFFFFFF00, v39;
	v28 =	vld.idx.msk [tilespmem:v41+s2+$0x0], $0xffff  }
0x6d: {  	v4 =	vand.u32 $0x7FFFFFFF, v4;
	v25 =	vsub.f32 v34, v37;
	v34 =	vand.u32 $0x7FFFFFFF, v1;
	v26 =	vld.idx.msk [tilespmem:v29+s2+$0x0], $0xffff  }
0x6e: {  	v10 =	vadd.f32 v10, v23;
	v37 =	vand.u32 $0x7FFFFFFF, v2;
	v29 =	vadd.f32 v4, v21;
	v12 =	vld.idx.msk [tilespmem:v18+s2+$0x0], $0xffff  }
.Ltmp0:
0x6f: {  	v23 =	vand.u32 $0x7FFFFFFF, v25;
	v18 =	vsub.f32 v22, v33;
	v1 =	vmovc v30;
	v4 =	vld.idx.msk [tilespmem:v20+s8+$0x0], $0xffff;
	v20 =	vadd.f32 v37, v34;
	(pc) =	sbr.rel @p0 .LBB2_2-.Ltmp0, $4  }
0x70: {  	v24 =	vsub.f32 v45, v24;
	v22 =	vadd.f32 v29, v10;
	v2 =	vmov v32;
	v21 =	vld.idx.msk [tilespmem:v19+s8+$0x0], $0xffff  }
0x71: {  	v19 =	vld.idx.msk [tilespmem:v35+s8+$0x0], $0xffff  }
0x72: {  	v25 =	vsub.f32 v28, v36;
	v20 =	vadd.f32 v20, v22;
	v10 =	vld.idx.msk [tilespmem:v27+s8+$0x0], $0xffff  }
0x73: {  	v26 =	vsub.f32 v26, v40;
	v22 =	vld.idx.msk [tilespmem:v31+s2+$0x0], $0xffff  }
0x74: {  	_ =	sdelay $0x3  }
0x75: {  	v16 =	vld.idx.msk [tilespmem:v16+s2+$0x0], $0xffff  }
0x76: {  	v11 =	vld.idx.msk [tilespmem:v11+s8+$0x0], $0xffff  }
0x77: {  	v24 =	vand.u32 $0x7FFFFFFF, v24;
	v0 =	vand.u32 $0x7F, v0;
	v13 =	vld.idx.msk [tilespmem:v13+s8+$0x0], $0xffff  }
0x78: {  	v25 =	vand.u32 $0x7FFFFFFF, v25;
	v6 =	vld.idx.msk [tilespmem:v6+s2+$0x0], $0xffff;
	v23 =	vadd.f32 v23, v24;
	v0 =	vor.u32 v0, v17  }
0x79: {  	v8 =	vsub.f32 v12, v8;
	v9 =	vld.idx.msk [tilespmem:v9+s2+$0x0], $0xffff;
	v26 =	vand.u32 $0x7FFFFFFF, v26;
	v17 =	vor.u32 $0x80, v0  }
0x7a: {  	v18 =	vand.u32 $0x7FFFFFFF, v18;
	v5 =	vld.idx.msk [tilespmem:v5+s8+$0x0], $0xffff;
	v54 =	vadd.f32 v25, v26;
	v55 =	vadd.f32 v23, v20  }
0x7b: {  	v14 =	vsub.f32 v14, v21;
	v8 =	vand.u32 $0x7FFFFFFF, v8;
	v3 =	vsub.f32 v3, v11  }
0x7c: {  	v56 =	vand.u32 $0x7FFFFFFF, v15;
	v7 =	vld.idx.msk [tilespmem:v7+s2+$0x0], $0xffff;
	v8 =	vadd.f32 v8, v18;
	v12 =	vadd.f32 v54, v55  }
0x7d: {  	v57 =	vsub.f32 v22, v19;
	v13 =	vsub.f32 v16, v13;
	v0 =	vld.idx.msk [tilespmem:v0+s8+$0x0], $0xffff;
	v3 =	vand.u32 $0x7FFFFFFF, v3  }
0x7e: {  	v14 =	vand.u32 $0x7FFFFFFF, v14;
	v8 =	vadd.f32 v8, v12;
	v58 =	vld.idx.msk [tilespmem:v17+s8+$0x0], $0xffff;
	v3 =	vadd.f32 v3, v56  }
0x7f: {  	v6 =	vsub.f32 v6, v10;
	v5 =	vsub.f32 v9, v5;
	v13 =	vand.u32 $0x7FFFFFFF, v13  }
0x80: {  	v59 =	vadd.f32 v13, v14;
	v3 =	vadd.f32 v3, v8  }
0x81: {  	v4 =	vsub.f32 v7, v4;
	v60 =	vand.u32 $0x7FFFFFFF, v57;
	v6 =	vand.u32 $0x7FFFFFFF, v6  }
0x82: {  	v5 =	vand.u32 $0x7FFFFFFF, v5;
	v6 =	vadd.f32 v60, v6;
	v3 =	vadd.f32 v59, v3  }
0x83: {  	v62 =	vand.u32 $0x7FFFFFFF, v4;
	v0 =	vsub.f32 v1, v0;
	v61 =	vsub.f32 v2, v58  }
0x84: {  	v2 =	vadd.f32 v62, v5;
	v3 =	vadd.f32 v6, v3  }
0x85: {  	v0 =	vand.u32 $0x7FFFFFFF, v0;
	v1 =	vand.u32 $0x7FFFFFFF, v61  }
0x86: {  	v0 =	vadd.f32 v1, v0;
	v63 =	vadd.f32 v2, v3;
	_ =	sdelay $0x1  }
0x87: {  	v0 =	vadd.f32 v0, v63;
	_ =	sdelay $0x1  }
0x88: {  	s15 =	sadd.s32 $0x1, s15;
	v0 =	vmul.f32 $1.525878910e-05, v0  }
0x89: {  	p0 =	sne.s32 s15, s7  }
.Ltmp1:
0x8a: {  	[tilespmem:$0x6000] =	vst v0;
	(pc) =	sbr.rel @p0 .LBB2_1-.Ltmp1, $4  }
0x8b: {  	[hbm4b:s6+s2] =	stream.linear.scatter [tilespmem:s13], [sflag:$0x4], $0x80, $0x38;
	[tilespmem:$0x6080] =	vst v63  }
0x8c: {  	_ =	swait.ge [sflag:s14], $0x80  }
0x8d: {  	[sflag:s14] =	ssyncset.done $0x0  }
0x8e: {  	[sflag:s14] =	ssyncadd.s32 $0xFFFFFF80  }
0x8f: {  	_ =	sfence.sel $0x180000  }
0x90: {  	[bflag:$0x0] =	sbarrier.arrive $0xFFFF  }
0x91: {  	p0 =	sne.s32 s1, $0x0;
	_ =	strace $0x90000047  }
0x92: {  	s0 =	sadd.s32 @!p0 $0x100000, s0;
	[bflag:$0x2] =	sbarrier.arrive $0xFFFF  }
0x93: {  	[sflag:s0] =	ssyncadd.tile.s32 @!p0 $0x1;
	_ =	shalt  }
.Lfunc_end2:
_tile_overlayer_lowered:
.L_overlay_start_2:
0x94: {  	(tag) =	ssettag $0x2  }
0x95: {  	s0 =	rddreg [dreg:$0x0];
	s2 =	stileid.u32  }
0x96: {  	s1 =	rddreg [dreg:$0x1];
	p0 =	sne.s32 s2, $0x0  }
0x97: {  	s3 =	rddreg [dreg:$0x2];
	[bflag:$0x3] =	sbarrier.arrive $0xFFFF;
	s2 =	simm.s32 @!p0 $0x1C04  }
0x98: {  	[timem:s3], [sflag:s2] =	dma.local @!p0 [hbm:s0], s1  }
0x99: {  	s0 =	simm.s32 @!p0 $0x4  }
0x9a: {  	_ =	swait.ge @!p0 [sflag:s0], s1  }
0x9b: {  	s1 =	ssub.s32 @!p0 $0x0, s1;
	[sflag:s0] =	ssyncset.done @!p0 $0x0  }
0x9c: {  	[sflag:s0] =	ssyncadd.s32 @!p0 s1  }
0x9d: {  	[bflag:$0x3] =	sbarrier.arrive $0xFFFF  }
0x9e: {  	_ =	shalt  }

</sc_bundles>
